<compile_context>
chip_gen: v7x
topology: tpu7x:2x2x1
jax: 0.10.2.dev20260603
libtpu: 0.0.44.dev20260713+nightly
codegen_flags: <defaults>
</compile_context>

<pallas_src>
import functools

import jax
import jax.numpy as jnp
from jax import lax
from jax.experimental import pallas as pl
from jax.experimental.pallas import tpu as pltpu
from jax.experimental.pallas import tpu_sc as plsc

B, V, NF, NO, PDIM, ZDIM = 16, 778, 1538, 2048, 61, 64
KL_COEF = 0.005
BIG_I = 2 ** 30
NFP = 1600
QC = 512
VP = 784
VP3 = VP * 3
NF3P = NFP * 3

_DNT = (((0,), (0,)), ((), ()))



def _sc_normals_body(vab_hbm, faces_hbm, out_hbm, verts_v, faces_v, vn_v):
    wid = lax.axis_index("s") * 2 + lax.axis_index("c")
    b = wid // 2
    m = wid % 2
    pltpu.sync_copy(vab_hbm.at[b, m], verts_v)
    pltpu.sync_copy(faces_hbm.at[b], faces_v)

    zero16 = jnp.zeros((16,), jnp.float32)

    def _zero(i, c):
        vn_v[pl.ds(i * 16, 16)] = zero16
        return c

    lax.fori_loop(0, VP3 // 16, _zero, 0)

    def _face_chunk(i, c):
        base = i * 16
        i0 = faces_v[pl.ds(base, 16)] * 3
        i1 = faces_v[pl.ds(NFP + base, 16)] * 3
        i2 = faces_v[pl.ds(2 * NFP + base, 16)] * 3
        v0x = plsc.load_gather(verts_v, [i0])
        v0y = plsc.load_gather(verts_v, [i0 + 1])
        v0z = plsc.load_gather(verts_v, [i0 + 2])
        v1x = plsc.load_gather(verts_v, [i1])
        v1y = plsc.load_gather(verts_v, [i1 + 1])
        v1z = plsc.load_gather(verts_v, [i1 + 2])
        v2x = plsc.load_gather(verts_v, [i2])
        v2y = plsc.load_gather(verts_v, [i2 + 1])
        v2z = plsc.load_gather(verts_v, [i2 + 2])
        e1x, e1y, e1z = v1x - v0x, v1y - v0y, v1z - v0z
        e2x, e2y, e2z = v2x - v0x, v2y - v0y, v2z - v0z
        fx = e1y * e2z - e1z * e2y
        fy = e1z * e2x - e1x * e2z
        fz = e1x * e2y - e1y * e2x
        for ic in (i0, i1, i2):
            plsc.addupdate_scatter(vn_v, [ic], fx)
            plsc.addupdate_scatter(vn_v, [ic + 1], fy)
            plsc.addupdate_scatter(vn_v, [ic + 2], fz)
        return c

    lax.fori_loop(0, NFP // 16, _face_chunk, 0)
    pltpu.sync_copy(vn_v, out_hbm.at[b, m])


def _sc_normals(vab_flat, faces_flat):
    mesh = plsc.VectorSubcoreMesh(core_axis_name="c", subcore_axis_name="s")
    fn = functools.partial(
        pl.kernel,
        mesh=mesh,
        compiler_params=pltpu.CompilerParams(needs_layout_passes=False),
        out_type=jax.ShapeDtypeStruct((B, 2, VP3), jnp.float32),
        scratch_types=[
            pltpu.VMEM((VP3,), jnp.float32),
            pltpu.VMEM((NF3P,), jnp.int32),
            pltpu.VMEM((VP3,), jnp.float32),
        ],
    )(_sc_normals_body)
    return fn(vab_flat, faces_flat)



def _loss_kernel(va_ref, vb_ref, vn_ref, objt_ref, objr_ref, vw_ref,
                 rx_ref, xx_ref, mu_ref, lv_ref,
                 loss_ref, param_ref, ho_ref, recon_ref, kld_ref):
    b = pl.program_id(0)

    @pl.when(b == 0)
    def _init():
        z = jnp.zeros((1, 1), jnp.float32)
        loss_ref[:, :] = z
        param_ref[:, :] = z
        ho_ref[:, :] = z
        recon_ref[:, :] = z
        kld_ref[:, :] = z

    va = va_ref[0]
    vb = vb_ref[0]
    vw = vw_ref[:]
    rx = rx_ref[0]
    xx = xx_ref[0]
    mu = mu_ref[0]
    lv = lv_ref[0]

    def _unit(vn):
        n = jnp.sqrt(jnp.sum(vn * vn, axis=1, keepdims=True))
        return vn / jnp.maximum(n, 1e-6)

    wa = jnp.concatenate([va, _unit(vn_ref[0, 0])], axis=1)
    wb = jnp.concatenate([vb, _unit(vn_ref[0, 1])], axis=1)

    h2a = jnp.sum(va * va, axis=1, keepdims=True)
    h2b = jnp.sum(vb * vb, axis=1, keepdims=True)
    iota_p = jax.lax.broadcasted_iota(jnp.int32, (V, QC), 0)
    iota_q = jax.lax.broadcasted_iota(jnp.int32, (V, QC), 1)

    imax = jnp.iinfo(jnp.int32).max
    st_a = [jnp.full((V, 1), imax, jnp.int32), jnp.zeros((V, 3), jnp.float32)]
    st_b = [jnp.full((V, 1), imax, jnp.int32), jnp.zeros((V, 3), jnp.float32)]
    hi_mask = jnp.int32(-1024)
    ldo = 0.0
    for k in range(NO // QC):
        objc = objt_ref[0, :, k * QC:(k + 1) * QC]
        objr = objr_ref[0, k * QC:(k + 1) * QC, :]
        o2 = jnp.sum(objc * objc, axis=0, keepdims=True)

        def _signed(verts, h2, w6, st):
            d = jnp.maximum(h2 + o2 - 2.0 * jnp.dot(verts, objc), 0.0)
            dq = jax.lax.bitcast_convert_type(d, jnp.int32) & hi_mask
            ckey = dq | iota_p
            ckmin = jnp.min(ckey, axis=0, keepdims=True)
            cmask = (ckey == ckmin).astype(jnp.float32)
            sel = jax.lax.dot_general(cmask, w6, _DNT)
            dx = objr[:, 0:1] - sel[:, 0:1]
            dy = objr[:, 1:2] - sel[:, 1:2]
            dz = objr[:, 2:3] - sel[:, 2:3]
            mag = jnp.sqrt(dx * dx + dy * dy + dz * dz)
            dotn = sel[:, 3:4] * dx + sel[:, 4:5] * dy + sel[:, 5:6] * dz
            sgn = jnp.where(dotn > 0.0, 1.0,
                            jnp.where(dotn < 0.0, -1.0, 0.0))
            rkey = dq | iota_q
            rkmin = jnp.min(rkey, axis=1, keepdims=True)
            rmask = (rkey == rkmin).astype(jnp.float32)
            rsel = jnp.dot(rmask, objr)
            upd = rkmin < st[0]
            st[0] = jnp.where(upd, rkmin, st[0])
            st[1] = jnp.where(upd, rsel, st[1])
            return mag * sgn

        o2h_a = _signed(va, h2a, wa, st_a)
        o2h_b = _signed(vb, h2b, wb, st_b)

        w_dist = (o2h_b < 0.01) & (o2h_b > -0.005)
        w = jnp.where(w_dist, 1.0, 0.1)
        w = jnp.where(o2h_a < 0.0, 1.5, w)
        ldo = ldo + jnp.sum(jnp.abs(o2h_a - o2h_b) * w)

    def _rownorm(verts, st):
        e = verts - st[1]
        return jnp.sqrt(jnp.sum(e * e, axis=1, keepdims=True))

    h2o_a = _rownorm(va, st_a)
    h2o_b = _rownorm(vb, st_b)
    w2 = jnp.exp(0.4 * jnp.log(vw))
    ldh = jnp.sum(jnp.abs(jnp.abs(h2o_a) - jnp.abs(h2o_b)) * w2)

    scale = 1.0 - KL_COEF
    ho_p = (35.0 * scale / (B * V)) * ldh + (30.0 * scale / (B * NO)) * ldo

    dpx = rx - xx
    param_p = jnp.sum(dpx * dpx) / B
    dv = va - vb
    recon_p = jnp.sum(dv * dv) / B
    kld_p = -0.5 * jnp.sum(1.0 + lv - mu * mu - jnp.exp(lv)) / B

    def _acc(ref, val):
        ref[:, :] = ref[:, :] + jnp.full((1, 1), 1.0, jnp.float32) * val

    _acc(loss_ref, (recon_p + kld_p) + 0.1 * param_p + 10.0 * ho_p)
    _acc(param_ref, param_p)
    _acc(ho_ref, ho_p)
    _acc(recon_ref, recon_p)
    _acc(kld_ref, kld_p)


def kernel(recon_x, x, mu, logvar, recon_xyz, hand_xyz, hand_faces, obj_pts,
           v_weights):
    vab = jnp.stack([recon_xyz, hand_xyz], axis=1)
    vab_flat = jnp.pad(vab, ((0, 0), (0, 0), (0, VP - V), (0, 0))
                       ).reshape(B, 2, VP3)
    faces_pad = jnp.pad(hand_faces, ((0, 0), (0, NFP - NF), (0, 0)),
                        constant_values=V)
    faces_flat = jnp.swapaxes(faces_pad, 1, 2).reshape(B, NF3P)
    vn = _sc_normals(vab_flat, faces_flat)
    vn = vn.reshape(B, 2, VP, 3)[:, :, :V, :]

    obj_t = jnp.swapaxes(obj_pts, 1, 2)
    vw_col = v_weights.reshape(V, 1)
    rx3 = recon_x.reshape(B, 1, PDIM)
    x3 = x.reshape(B, 1, PDIM)
    mu3 = mu.reshape(B, 1, ZDIM)
    lv3 = logvar.reshape(B, 1, ZDIM)

    out_shape = [jax.ShapeDtypeStruct((1, 1), jnp.float32)] * 5
    scal = pl.BlockSpec((1, 1), lambda b: (0, 0))
    outs = pl.pallas_call(
        _loss_kernel,
        grid=(B,),
        in_specs=[
            pl.BlockSpec((1, V, 3), lambda b: (b, 0, 0)),
            pl.BlockSpec((1, V, 3), lambda b: (b, 0, 0)),
            pl.BlockSpec((1, 2, V, 3), lambda b: (b, 0, 0, 0)),
            pl.BlockSpec((1, 3, NO), lambda b: (b, 0, 0)),
            pl.BlockSpec((1, NO, 3), lambda b: (b, 0, 0)),
            pl.BlockSpec((V, 1), lambda b: (0, 0)),
            pl.BlockSpec((1, 1, PDIM), lambda b: (b, 0, 0)),
            pl.BlockSpec((1, 1, PDIM), lambda b: (b, 0, 0)),
            pl.BlockSpec((1, 1, ZDIM), lambda b: (b, 0, 0)),
            pl.BlockSpec((1, 1, ZDIM), lambda b: (b, 0, 0)),
        ],
        out_specs=[scal] * 5,
        out_shape=out_shape,
    )(recon_xyz, hand_xyz, vn, obj_t, obj_pts, vw_col,
      rx3, x3, mu3, lv3)

    loss, param_loss, ho_loss, recon_loss, kld = [o.reshape(()) for o in outs]
    return (loss, param_loss, ho_loss, recon_loss, kld)

# --- scband reference (transcript-rebuilt; emitter-appended) ---
"""Pipeline reference for scband-grasp-cvaeloss-20512763806172 (READ-ONLY COPY).

The authoritative reference and input builder live on the scoring server;
editing this copy changes nothing except your own understanding.
"""

import jax, jax.numpy as jnp
import numpy as np

B, V, NF, NO, PDIM, ZDIM = 16, 778, 1538, 2048, 61, 64
A_COEF, B_COEF, C_COEF = 1.0, 0.1, 10.0
KL_COEF = 0.005


def setup_inputs(seed: int = 0):
    key = jax.random.key(seed)
    ks = jax.random.split(key, 9)
    return {
        'recon_x': jax.random.normal(ks[0], (B, PDIM), dtype=jnp.float32),
        'x': jax.random.normal(ks[1], (B, PDIM), dtype=jnp.float32),
        'mu': jax.random.normal(ks[2], (B, ZDIM), dtype=jnp.float32),
        'logvar': jax.random.normal(ks[3], (B, ZDIM), dtype=jnp.float32),
        'recon_xyz': jax.random.normal(ks[4], (B, V, 3), dtype=jnp.float32),
        'hand_xyz': jax.random.normal(ks[5], (B, V, 3), dtype=jnp.float32),
        'hand_faces': jax.random.randint(ks[6], (B, NF, 3), 0, V),
        'obj_pts': jax.random.normal(ks[7], (B, NO, 3), dtype=jnp.float32),
        'v_weights': jax.random.uniform(ks[8], (V,), dtype=jnp.float32, minval=0.01, maxval=1.0),
    }


def _vertex_normals_one(verts, faces):
    # pytorch3d-style vertex normals: area-weighted face normals scatter-added to verts
    v0 = verts[faces[:, 0]]
    v1 = verts[faces[:, 1]]
    v2 = verts[faces[:, 2]]
    fn = jnp.cross(v1 - v0, v2 - v0)
    vn = jnp.zeros_like(verts)
    vn = vn.at[faces[:, 0]].add(fn)
    vn = vn.at[faces[:, 1]].add(fn)
    vn = vn.at[faces[:, 2]].add(fn)
    n = jnp.linalg.norm(vn, axis=-1, keepdims=True)
    return vn / jnp.maximum(n, 1e-6)


def vertex_normals(verts, faces):
    return jax.vmap(_vertex_normals_one)(verts, faces)


def _pairwise_sqdist(x, y):
    x2 = jnp.sum(x * x, axis=-1)
    y2 = jnp.sum(y * y, axis=-1)
    xy = jnp.einsum('bpd,bqd->bpq', x, y)
    return jnp.maximum(x2[:, :, None] + y2[:, None, :] - 2.0 * xy, 0.0)


def point2point_signed(x, y, x_normals=None, y_normals=None):
    d = _pairwise_sqdist(x, y)
    xidx = jax.lax.stop_gradient(jnp.argmin(d, axis=2))
    yidx = jax.lax.stop_gradient(jnp.argmin(d, axis=1))
    x_near = jnp.take_along_axis(y, xidx[:, :, None], axis=1)
    y_near = jnp.take_along_axis(x, yidx[:, :, None], axis=1)
    x2y = x - x_near
    y2x = y - y_near
    if x_normals is not None:
        y_nn = jnp.take_along_axis(x_normals, yidx[:, :, None], axis=1)
        in_out = jnp.sign(jnp.sum(y_nn * y2x, axis=-1))
        y2x_signed = jnp.linalg.norm(y2x, axis=2) * in_out
    else:
        y2x_signed = jnp.linalg.norm(y2x, axis=2)
    if y_normals is not None:
        x_nn = jnp.take_along_axis(y_normals, xidx[:, :, None], axis=1)
        in_out_x = jnp.sign(jnp.sum(x_nn * x2y, axis=-1))
        x2y_signed = jnp.linalg.norm(x2y, axis=2) * in_out_x
    else:
        x2y_signed = jnp.linalg.norm(x2y, axis=2)
    return y2x_signed, x2y_signed, yidx


def loss_cnet(verts_rhand, verts_rhand_gt, faces, verts_obj, v_weights):
    Bsz, NPoints_obj, _ = verts_obj.shape
    v_weights2 = jnp.power(v_weights, 1.0 / 2.5)
    rh_mesh = vertex_normals(verts_rhand, faces)
    rh_mesh_gt = vertex_normals(verts_rhand_gt, faces)
    o2h_signed, h2o, _ = point2point_signed(verts_rhand, verts_obj, rh_mesh)
    o2h_signed_gt, h2o_gt, o2h_idx = point2point_signed(verts_rhand_gt, verts_obj, rh_mesh_gt)
    w_dist = (o2h_signed_gt < 0.01) & (o2h_signed_gt > -0.005)
    w_dist_neg = o2h_signed < 0.0
    w = jnp.ones((Bsz, NPoints_obj), dtype=verts_obj.dtype)
    w = jnp.where(w_dist, w, 0.1)
    w = jnp.where(w_dist_neg, 1.5, w)
    loss_dist_h = 35.0 * (1.0 - KL_COEF) * jnp.mean(jnp.abs(jnp.abs(h2o) - jnp.abs(h2o_gt)) * v_weights2[None, :])
    loss_dist_o = 30.0 * (1.0 - KL_COEF) * jnp.mean(jnp.abs(o2h_signed - o2h_signed_gt) * w)
    return loss_dist_h + loss_dist_o


def reference(recon_x, x, mu, logvar, recon_xyz, hand_xyz, hand_faces, obj_pts, v_weights):
    param_loss = jnp.sum((recon_x - x) ** 2) / recon_x.shape[0]
    recon_loss = jnp.sum((recon_xyz - hand_xyz) ** 2) / hand_xyz.shape[0]
    KLD = -0.5 * jnp.sum(1.0 + logvar - mu ** 2 - jnp.exp(logvar)) / hand_xyz.shape[0]
    cvae_loss = recon_loss + KLD
    ho_loss = loss_cnet(recon_xyz, hand_xyz, hand_faces, obj_pts, v_weights)
    loss = A_COEF * cvae_loss + B_COEF * param_loss + C_COEF * ho_loss
    return (loss, param_loss, ho_loss, recon_loss, KLD)

if __name__ == "__main__":
    import jax
    _d = setup_inputs()
    print(jax.jit(kernel)(*tuple(_d.values())))

</pallas_src>

<mosaic_0001>
#map = affine_map<(d0, d1) -> (0, 0, 0)>
#map1 = affine_map<(d0, d1) -> (0, 0)>
module attributes {stable_mosaic.version = 14 : i64} {
  func.func @_sc_normals_body(%arg0: i32, %arg1: i32, %arg2: memref<16x2x2352xf32, #tpu.memory_space<hbm>>, %arg3: memref<16x4800xi32, #tpu.memory_space<hbm>>, %arg4: memref<16x2x2352xf32, #tpu.memory_space<hbm>>, %arg5: memref<2352xf32, #tpu.memory_space<vmem>>, %arg6: memref<4800xi32, #tpu.memory_space<vmem>>, %arg7: memref<2352xf32, #tpu.memory_space<vmem>>) attributes {dimension_semantics = [#tpu.dimension_semantics<core_parallel>, #tpu.dimension_semantics<subcore_parallel>], iteration_bounds = array<i64: 2, 16>, scalar_prefetch = 0 : i64, scratch_operands = 3 : i64, tpu.core_type = #tpu.core_type<sc_vector_subcore>, window_params = [{transform_indices = #map}, {transform_indices = #map1}, {transform_indices = #map}]} {
    %mul3A = arith.constant 2 : i32
    %mul3A_0 = arith.muli %arg1, %mul3A : i32
    %add3A = arith.addi %mul3A_0, %arg0 : i32
    %jit3A = arith.constant 2 : i32
    %div3A = arith.divsi %add3A, %jit3A : i32
    %sign3A = arith.constant 0 : i32
    %sign3A_1 = arith.cmpi sgt, %add3A, %sign3A : i32
    %sign3A_2 = arith.extui %sign3A_1 : i1 to i32
    %sign3A_3 = arith.constant 0 : i32
    %sign3A_4 = arith.cmpi slt, %add3A, %sign3A_3 : i32
    %sign3A_5 = arith.extui %sign3A_4 : i1 to i32
    %sign3A_6 = arith.subi %sign3A_2, %sign3A_5 : i32
    %sign3A_7 = arith.constant 0 : i32
    %sign3A_8 = arith.cmpi sgt, %jit3A, %sign3A_7 : i32
    %sign3A_9 = arith.extui %sign3A_8 : i1 to i32
    %sign3A_10 = arith.constant 0 : i32
    %sign3A_11 = arith.cmpi slt, %jit3A, %sign3A_10 : i32
    %sign3A_12 = arith.extui %sign3A_11 : i1 to i32
    %sign3A_13 = arith.subi %sign3A_9, %sign3A_12 : i32
    %ne3A = arith.cmpi ne, %sign3A_6, %sign3A_13 : i32
    %rem3A = arith.remsi %add3A, %jit3A : i32
    %ne3A_14 = arith.constant 0 : i32
    %ne3A_15 = arith.cmpi ne, %rem3A, %ne3A_14 : i32
    %and3A = arith.andi %ne3A, %ne3A_15 : i1
    %sub3A = arith.constant 1 : i32
    %sub3A_16 = arith.subi %div3A, %sub3A : i32
    %select_n3A = arith.select %and3A, %sub3A_16, %div3A : i32
    %jit3A_17 = arith.constant 2 : i32
    %eq3A = arith.constant 0 : i32
    %eq3A_18 = arith.cmpi eq, %jit3A_17, %eq3A : i32
    %jit3A_19 = arith.constant 1 : i32
    %select_n3A_20 = arith.select %eq3A_18, %jit3A_19, %jit3A_17 : i32
    %rem3A_21 = arith.remsi %add3A, %select_n3A_20 : i32
    %ne3A_22 = arith.constant 0 : i32
    %ne3A_23 = arith.cmpi ne, %rem3A_21, %ne3A_22 : i32
    %lt3A = arith.constant 0 : i32
    %lt3A_24 = arith.cmpi slt, %rem3A_21, %lt3A : i32
    %lt3A_25 = arith.constant 0 : i32
    %lt3A_26 = arith.cmpi slt, %select_n3A_20, %lt3A_25 : i32
    %ne3A_27 = arith.xori %lt3A_24, %lt3A_26 : i1
    %and3A_28 = arith.andi %ne3A_27, %ne3A_23 : i1
    %add3A_29 = arith.addi %rem3A_21, %select_n3A_20 : i32
    %select_n3A_30 = arith.select %and3A_28, %add3A_29, %rem3A_21 : i32
    "tpu.region"() ({
      %run_scoped3A = tpu.sem_alloc : memref<!tpu.dma_semaphore, #tpu.memory_space<semaphore_mem>>
      %dma_start3A = arith.constant 0 : i32
      %dma_start3A_43 = tpu.memref_slice %arg2[%select_n3A, %select_n3A_30, %dma_start3A] : memref<16x2x2352xf32, #tpu.memory_space<hbm>> -> memref<1x1x2352xf32, #tpu.memory_space<hbm>>
      %dma_start3A_44 = tpu.memref_squeeze %dma_start3A_43 : memref<1x1x2352xf32, #tpu.memory_space<hbm>> -> memref<2352xf32, #tpu.memory_space<hbm>>
      %dma_start3A_45 = arith.constant 0 : i32
      %dma_start3A_46 = tpu.memref_slice %arg2[%select_n3A, %select_n3A_30, %dma_start3A_45] : memref<16x2x2352xf32, #tpu.memory_space<hbm>> -> memref<1x1x2352xf32, #tpu.memory_space<hbm>>
      %dma_start3A_47 = tpu.memref_squeeze %dma_start3A_46 : memref<1x1x2352xf32, #tpu.memory_space<hbm>> -> memref<2352xf32, #tpu.memory_space<hbm>>
      tpu.enqueue_dma source(%dma_start3A_47 : memref<2352xf32, #tpu.memory_space<hbm>>) target(%arg5 : memref<2352xf32, #tpu.memory_space<vmem>>) target_semaphore(%run_scoped3A : memref<!tpu.dma_semaphore, #tpu.memory_space<semaphore_mem>>)
      %dma_wait3A = arith.constant 0 : i32
      %dma_wait3A_48 = tpu.memref_slice %arg2[%select_n3A, %select_n3A_30, %dma_wait3A] : memref<16x2x2352xf32, #tpu.memory_space<hbm>> -> memref<1x1x2352xf32, #tpu.memory_space<hbm>>
      %dma_wait3A_49 = tpu.memref_squeeze %dma_wait3A_48 : memref<1x1x2352xf32, #tpu.memory_space<hbm>> -> memref<2352xf32, #tpu.memory_space<hbm>>
      %dma_wait3A_50 = arith.constant 0 : i32
      %dma_wait3A_51 = tpu.memref_slice %arg2[%select_n3A, %select_n3A_30, %dma_wait3A_50] : memref<16x2x2352xf32, #tpu.memory_space<hbm>> -> memref<1x1x2352xf32, #tpu.memory_space<hbm>>
      %dma_wait3A_52 = tpu.memref_squeeze %dma_wait3A_51 : memref<1x1x2352xf32, #tpu.memory_space<hbm>> -> memref<2352xf32, #tpu.memory_space<hbm>>
      tpu.wait_dma2 semaphore(%run_scoped3A : memref<!tpu.dma_semaphore, #tpu.memory_space<semaphore_mem>>) src(%dma_wait3A_52 : memref<2352xf32, #tpu.memory_space<hbm>>) dst(%arg5 : memref<2352xf32, #tpu.memory_space<vmem>>)
      tpu.yield
    }) : () -> ()
    "tpu.region"() ({
      %run_scoped3A = tpu.sem_alloc : memref<!tpu.dma_semaphore, #tpu.memory_space<semaphore_mem>>
      %dma_start3A = arith.constant 0 : i32
      %dma_start3A_43 = tpu.memref_slice %arg3[%select_n3A, %dma_start3A] : memref<16x4800xi32, #tpu.memory_space<hbm>> -> memref<1x4800xi32, #tpu.memory_space<hbm>>
      %dma_start3A_44 = tpu.memref_squeeze %dma_start3A_43 : memref<1x4800xi32, #tpu.memory_space<hbm>> -> memref<4800xi32, #tpu.memory_space<hbm>>
      %dma_start3A_45 = arith.constant 0 : i32
      %dma_start3A_46 = tpu.memref_slice %arg3[%select_n3A, %dma_start3A_45] : memref<16x4800xi32, #tpu.memory_space<hbm>> -> memref<1x4800xi32, #tpu.memory_space<hbm>>
      %dma_start3A_47 = tpu.memref_squeeze %dma_start3A_46 : memref<1x4800xi32, #tpu.memory_space<hbm>> -> memref<4800xi32, #tpu.memory_space<hbm>>
      tpu.enqueue_dma source(%dma_start3A_47 : memref<4800xi32, #tpu.memory_space<hbm>>) target(%arg6 : memref<4800xi32, #tpu.memory_space<vmem>>) target_semaphore(%run_scoped3A : memref<!tpu.dma_semaphore, #tpu.memory_space<semaphore_mem>>)
      %dma_wait3A = arith.constant 0 : i32
      %dma_wait3A_48 = tpu.memref_slice %arg3[%select_n3A, %dma_wait3A] : memref<16x4800xi32, #tpu.memory_space<hbm>> -> memref<1x4800xi32, #tpu.memory_space<hbm>>
      %dma_wait3A_49 = tpu.memref_squeeze %dma_wait3A_48 : memref<1x4800xi32, #tpu.memory_space<hbm>> -> memref<4800xi32, #tpu.memory_space<hbm>>
      %dma_wait3A_50 = arith.constant 0 : i32
      %dma_wait3A_51 = tpu.memref_slice %arg3[%select_n3A, %dma_wait3A_50] : memref<16x4800xi32, #tpu.memory_space<hbm>> -> memref<1x4800xi32, #tpu.memory_space<hbm>>
      %dma_wait3A_52 = tpu.memref_squeeze %dma_wait3A_51 : memref<1x4800xi32, #tpu.memory_space<hbm>> -> memref<4800xi32, #tpu.memory_space<hbm>>
      tpu.wait_dma2 semaphore(%run_scoped3A : memref<!tpu.dma_semaphore, #tpu.memory_space<semaphore_mem>>) src(%dma_wait3A_52 : memref<4800xi32, #tpu.memory_space<hbm>>) dst(%arg6 : memref<4800xi32, #tpu.memory_space<vmem>>)
      tpu.yield
    }) : () -> ()
    %broadcast_in_dim3A = arith.constant 0.000000e+00 : f32
    %broadcast_in_dim3A_31 = vector.broadcast %broadcast_in_dim3A : f32 to vector<16xf32>
    %scan3A = arith.constant 0 : i32
    %scan3A_32 = arith.constant 0 : i32
    %scan3A_33 = arith.constant 147 : i32
    %scan3A_34 = arith.addi %scan3A_32, %scan3A_33 : i32
    %scan3A_35 = arith.constant 1 : i32
    scf.for %scan3A_43 = %scan3A_32 to %scan3A_34 step %scan3A_35  : i32 {
      %mul3A_44 = arith.constant 16 : i32
      %mul3A_45 = arith.muli %scan3A_43, %mul3A_44 : i32
      %swap3A = arith.index_cast %mul3A_45 : i32 to index
      %swap3A_46 = tpu.vector_load %arg7[%swap3A] {strides = array<i32>} : memref<2352xf32, #tpu.memory_space<vmem>>, vector<16xf32>,
      tpu.vector_store %arg7[%swap3A], %broadcast_in_dim3A_31 {strides = array<i32>} : memref<2352xf32, #tpu.memory_space<vmem>>, vector<16xf32>,
    }
    %scan3A_36 = arith.constant 147 : i32
    %scan3A_37 = arith.constant 0 : i32
    %scan3A_38 = arith.constant 0 : i32
    %scan3A_39 = arith.constant 100 : i32
    %scan3A_40 = arith.addi %scan3A_38, %scan3A_39 : i32
    %scan3A_41 = arith.constant 1 : i32
    scf.for %scan3A_43 = %scan3A_38 to %scan3A_40 step %scan3A_41  : i32 {
      %mul3A_44 = arith.constant 16 : i32
      %mul3A_45 = arith.muli %scan3A_43, %mul3A_44 : i32
      %get3A = arith.index_cast %mul3A_45 : i32 to index
      %get3A_46 = tpu.vector_load %arg6[%get3A] {strides = array<i32>} : memref<4800xi32, #tpu.memory_space<vmem>>, vector<16xi32>,
      %mul3A_47 = arith.constant 3 : i32
      %mul3A_48 = vector.broadcast %mul3A_47 : i32 to vector<16xi32>
      %mul3A_49 = arith.muli %get3A_46, %mul3A_48 : vector<16xi32>
      %add3A_50 = arith.constant 1600 : i32
      %add3A_51 = arith.addi %add3A_50, %mul3A_45 : i32
      %get3A_52 = arith.index_cast %add3A_51 : i32 to index
      %get3A_53 = tpu.vector_load %arg6[%get3A_52] {strides = array<i32>} : memref<4800xi32, #tpu.memory_space<vmem>>, vector<16xi32>,
      %mul3A_54 = arith.constant 3 : i32
      %mul3A_55 = vector.broadcast %mul3A_54 : i32 to vector<16xi32>
      %mul3A_56 = arith.muli %get3A_53, %mul3A_55 : vector<16xi32>
      %add3A_57 = arith.constant 3200 : i32
      %add3A_58 = arith.addi %add3A_57, %mul3A_45 : i32
      %get3A_59 = arith.index_cast %add3A_58 : i32 to index
      %get3A_60 = tpu.vector_load %arg6[%get3A_59] {strides = array<i32>} : memref<4800xi32, #tpu.memory_space<vmem>>, vector<16xi32>,
      %mul3A_61 = arith.constant 3 : i32
      %mul3A_62 = vector.broadcast %mul3A_61 : i32 to vector<16xi32>
      %mul3A_63 = arith.muli %get3A_60, %mul3A_62 : vector<16xi32>
      %gather3A = tpu.vector_load_idx %arg5[%mul3A_49] : memref<2352xf32, #tpu.memory_space<vmem>>[vector<16xi32>], vector<16xf32>,
      %add3A_64 = arith.constant 1 : i32
      %add3A_65 = vector.broadcast %add3A_64 : i32 to vector<16xi32>
      %add3A_66 = arith.addi %mul3A_49, %add3A_65 : vector<16xi32>
      %gather3A_67 = tpu.vector_load_idx %arg5[%add3A_66] : memref<2352xf32, #tpu.memory_space<vmem>>[vector<16xi32>], vector<16xf32>,
      %add3A_68 = arith.constant 2 : i32
      %add3A_69 = vector.broadcast %add3A_68 : i32 to vector<16xi32>
      %add3A_70 = arith.addi %mul3A_49, %add3A_69 : vector<16xi32>
      %gather3A_71 = tpu.vector_load_idx %arg5[%add3A_70] : memref<2352xf32, #tpu.memory_space<vmem>>[vector<16xi32>], vector<16xf32>,
      %gather3A_72 = tpu.vector_load_idx %arg5[%mul3A_56] : memref<2352xf32, #tpu.memory_space<vmem>>[vector<16xi32>], vector<16xf32>,
      %add3A_73 = arith.constant 1 : i32
      %add3A_74 = vector.broadcast %add3A_73 : i32 to vector<16xi32>
      %add3A_75 = arith.addi %mul3A_56, %add3A_74 : vector<16xi32>
      %gather3A_76 = tpu.vector_load_idx %arg5[%add3A_75] : memref<2352xf32, #tpu.memory_space<vmem>>[vector<16xi32>], vector<16xf32>,
      %add3A_77 = arith.constant 2 : i32
      %add3A_78 = vector.broadcast %add3A_77 : i32 to vector<16xi32>
      %add3A_79 = arith.addi %mul3A_56, %add3A_78 : vector<16xi32>
      %gather3A_80 = tpu.vector_load_idx %arg5[%add3A_79] : memref<2352xf32, #tpu.memory_space<vmem>>[vector<16xi32>], vector<16xf32>,
      %gather3A_81 = tpu.vector_load_idx %arg5[%mul3A_63] : memref<2352xf32, #tpu.memory_space<vmem>>[vector<16xi32>], vector<16xf32>,
      %add3A_82 = arith.constant 1 : i32
      %add3A_83 = vector.broadcast %add3A_82 : i32 to vector<16xi32>
      %add3A_84 = arith.addi %mul3A_63, %add3A_83 : vector<16xi32>
      %gather3A_85 = tpu.vector_load_idx %arg5[%add3A_84] : memref<2352xf32, #tpu.memory_space<vmem>>[vector<16xi32>], vector<16xf32>,
      %add3A_86 = arith.constant 2 : i32
      %add3A_87 = vector.broadcast %add3A_86 : i32 to vector<16xi32>
      %add3A_88 = arith.addi %mul3A_63, %add3A_87 : vector<16xi32>
      %gather3A_89 = tpu.vector_load_idx %arg5[%add3A_88] : memref<2352xf32, #tpu.memory_space<vmem>>[vector<16xi32>], vector<16xf32>,
      %sub3A_90 = arith.subf %gather3A_72, %gather3A : vector<16xf32>
      %sub3A_91 = arith.subf %gather3A_76, %gather3A_67 : vector<16xf32>
      %sub3A_92 = arith.subf %gather3A_80, %gather3A_71 : vector<16xf32>
      %sub3A_93 = arith.subf %gather3A_81, %gather3A : vector<16xf32>
      %sub3A_94 = arith.subf %gather3A_85, %gather3A_67 : vector<16xf32>
      %sub3A_95 = arith.subf %gather3A_89, %gather3A_71 : vector<16xf32>
      %mul3A_96 = arith.mulf %sub3A_91, %sub3A_95 : vector<16xf32>
      %mul3A_97 = arith.mulf %sub3A_92, %sub3A_94 : vector<16xf32>
      %sub3A_98 = arith.subf %mul3A_96, %mul3A_97 : vector<16xf32>
      %mul3A_99 = arith.mulf %sub3A_92, %sub3A_93 : vector<16xf32>
      %mul3A_100 = arith.mulf %sub3A_90, %sub3A_95 : vector<16xf32>
      %sub3A_101 = arith.subf %mul3A_99, %mul3A_100 : vector<16xf32>
      %mul3A_102 = arith.mulf %sub3A_90, %sub3A_94 : vector<16xf32>
      %mul3A_103 = arith.mulf %sub3A_91, %sub3A_93 : vector<16xf32>
      %sub3A_104 = arith.subf %mul3A_102, %mul3A_103 : vector<16xf32>
      tpu.vector_store_idx %arg7[%mul3A_49], %sub3A_98 {add = true} : memref<2352xf32, #tpu.memory_space<vmem>>[vector<16xi32>], vector<16xf32>,
      %add3A_105 = arith.constant 1 : i32
      %add3A_106 = vector.broadcast %add3A_105 : i32 to vector<16xi32>
      %add3A_107 = arith.addi %mul3A_49, %add3A_106 : vector<16xi32>
      tpu.vector_store_idx %arg7[%add3A_107], %sub3A_101 {add = true} : memref<2352xf32, #tpu.memory_space<vmem>>[vector<16xi32>], vector<16xf32>,
      %add3A_108 = arith.constant 2 : i32
      %add3A_109 = vector.broadcast %add3A_108 : i32 to vector<16xi32>
      %add3A_110 = arith.addi %mul3A_49, %add3A_109 : vector<16xi32>
      tpu.vector_store_idx %arg7[%add3A_110], %sub3A_104 {add = true} : memref<2352xf32, #tpu.memory_space<vmem>>[vector<16xi32>], vector<16xf32>,
      tpu.vector_store_idx %arg7[%mul3A_56], %sub3A_98 {add = true} : memref<2352xf32, #tpu.memory_space<vmem>>[vector<16xi32>], vector<16xf32>,
      %add3A_111 = arith.constant 1 : i32
      %add3A_112 = vector.broadcast %add3A_111 : i32 to vector<16xi32>
      %add3A_113 = arith.addi %mul3A_56, %add3A_112 : vector<16xi32>
      tpu.vector_store_idx %arg7[%add3A_113], %sub3A_101 {add = true} : memref<2352xf32, #tpu.memory_space<vmem>>[vector<16xi32>], vector<16xf32>,
      %add3A_114 = arith.constant 2 : i32
      %add3A_115 = vector.broadcast %add3A_114 : i32 to vector<16xi32>
      %add3A_116 = arith.addi %mul3A_56, %add3A_115 : vector<16xi32>
      tpu.vector_store_idx %arg7[%add3A_116], %sub3A_104 {add = true} : memref<2352xf32, #tpu.memory_space<vmem>>[vector<16xi32>], vector<16xf32>,
      tpu.vector_store_idx %arg7[%mul3A_63], %sub3A_98 {add = true} : memref<2352xf32, #tpu.memory_space<vmem>>[vector<16xi32>], vector<16xf32>,
      %add3A_117 = arith.constant 1 : i32
      %add3A_118 = vector.broadcast %add3A_117 : i32 to vector<16xi32>
      %add3A_119 = arith.addi %mul3A_63, %add3A_118 : vector<16xi32>
      tpu.vector_store_idx %arg7[%add3A_119], %sub3A_101 {add = true} : memref<2352xf32, #tpu.memory_space<vmem>>[vector<16xi32>], vector<16xf32>,
      %add3A_120 = arith.constant 2 : i32
      %add3A_121 = vector.broadcast %add3A_120 : i32 to vector<16xi32>
      %add3A_122 = arith.addi %mul3A_63, %add3A_121 : vector<16xi32>
      tpu.vector_store_idx %arg7[%add3A_122], %sub3A_104 {add = true} : memref<2352xf32, #tpu.memory_space<vmem>>[vector<16xi32>], vector<16xf32>,
    }
    %scan3A_42 = arith.constant 100 : i32
    "tpu.region"() ({
      %run_scoped3A = tpu.sem_alloc : memref<!tpu.dma_semaphore, #tpu.memory_space<semaphore_mem>>
      %dma_start3A = arith.constant 0 : i32
      %dma_start3A_43 = tpu.memref_slice %arg4[%select_n3A, %select_n3A_30, %dma_start3A] : memref<16x2x2352xf32, #tpu.memory_space<hbm>> -> memref<1x1x2352xf32, #tpu.memory_space<hbm>>
      %dma_start3A_44 = tpu.memref_squeeze %dma_start3A_43 : memref<1x1x2352xf32, #tpu.memory_space<hbm>> -> memref<2352xf32, #tpu.memory_space<hbm>>
      %dma_start3A_45 = arith.constant 0 : i32
      %dma_start3A_46 = tpu.memref_slice %arg4[%select_n3A, %select_n3A_30, %dma_start3A_45] : memref<16x2x2352xf32, #tpu.memory_space<hbm>> -> memref<1x1x2352xf32, #tpu.memory_space<hbm>>
      %dma_start3A_47 = tpu.memref_squeeze %dma_start3A_46 : memref<1x1x2352xf32, #tpu.memory_space<hbm>> -> memref<2352xf32, #tpu.memory_space<hbm>>
      tpu.enqueue_dma source(%arg7 : memref<2352xf32, #tpu.memory_space<vmem>>) target(%dma_start3A_47 : memref<2352xf32, #tpu.memory_space<hbm>>) target_semaphore(%run_scoped3A : memref<!tpu.dma_semaphore, #tpu.memory_space<semaphore_mem>>)
      %dma_wait3A = arith.constant 0 : i32
      %dma_wait3A_48 = tpu.memref_slice %arg4[%select_n3A, %select_n3A_30, %dma_wait3A] : memref<16x2x2352xf32, #tpu.memory_space<hbm>> -> memref<1x1x2352xf32, #tpu.memory_space<hbm>>
      %dma_wait3A_49 = tpu.memref_squeeze %dma_wait3A_48 : memref<1x1x2352xf32, #tpu.memory_space<hbm>> -> memref<2352xf32, #tpu.memory_space<hbm>>
      %dma_wait3A_50 = arith.constant 0 : i32
      %dma_wait3A_51 = tpu.memref_slice %arg4[%select_n3A, %select_n3A_30, %dma_wait3A_50] : memref<16x2x2352xf32, #tpu.memory_space<hbm>> -> memref<1x1x2352xf32, #tpu.memory_space<hbm>>
      %dma_wait3A_52 = tpu.memref_squeeze %dma_wait3A_51 : memref<1x1x2352xf32, #tpu.memory_space<hbm>> -> memref<2352xf32, #tpu.memory_space<hbm>>
      tpu.wait_dma2 semaphore(%run_scoped3A : memref<!tpu.dma_semaphore, #tpu.memory_space<semaphore_mem>>) src(%arg7 : memref<2352xf32, #tpu.memory_space<vmem>>) dst(%dma_wait3A_52 : memref<2352xf32, #tpu.memory_space<hbm>>)
      tpu.yield
    }) : () -> ()
    return
  }
}

module attributes {stable_mosaic.version = 14 : i64} {
  func.func @_loss_kernel(%arg0: i32, %arg1: memref<1x778x3xf32, #tpu.memory_space<vmem>>, %arg2: memref<1x778x3xf32, #tpu.memory_space<vmem>>, %arg3: memref<1x2x778x3xf32, #tpu.memory_space<vmem>>, %arg4: memref<1x3x2048xf32, #tpu.memory_space<vmem>>, %arg5: memref<1x2048x3xf32, #tpu.memory_space<vmem>>, %arg6: memref<778x1xf32, #tpu.memory_space<vmem>>, %arg7: memref<1x1x61xf32, #tpu.memory_space<vmem>>, %arg8: memref<1x1x61xf32, #tpu.memory_space<vmem>>, %arg9: memref<1x1x64xf32, #tpu.memory_space<vmem>>, %arg10: memref<1x1x64xf32, #tpu.memory_space<vmem>>, %arg11: memref<1x1xf32, #tpu.memory_space<vmem>>, %arg12: memref<1x1xf32, #tpu.memory_space<vmem>>, %arg13: memref<1x1xf32, #tpu.memory_space<vmem>>, %arg14: memref<1x1xf32, #tpu.memory_space<vmem>>, %arg15: memref<1x1xf32, #tpu.memory_space<vmem>>) attributes {dimension_semantics = [#tpu.dimension_semantics<arbitrary>], iteration_bounds = array<i64: 16>, scalar_prefetch = 0 : i64, scratch_operands = 0 : i64, tpu.core_type = #tpu.core_type<tc>, window_params = [{transform_indices = @transform_0, window_bounds = array<i64: 1, 778, 3>}, {transform_indices = @transform_1, window_bounds = array<i64: 1, 778, 3>}, {transform_indices = @transform_2, window_bounds = array<i64: 1, 2, 778, 3>}, {transform_indices = @transform_3, window_bounds = array<i64: 1, 3, 2048>}, {transform_indices = @transform_4, window_bounds = array<i64: 1, 2048, 3>}, {pipeline_mode = #tpu.pipeline_mode<synchronous>, transform_indices = @transform_5, window_bounds = array<i64: 778, 1>}, {transform_indices = @transform_6, window_bounds = array<i64: 1, 1, 61>}, {transform_indices = @transform_7, window_bounds = array<i64: 1, 1, 61>}, {transform_indices = @transform_8, window_bounds = array<i64: 1, 1, 64>}, {transform_indices = @transform_9, window_bounds = array<i64: 1, 1, 64>}, {pipeline_mode = #tpu.pipeline_mode<synchronous>, transform_indices = @transform_10, window_bounds = array<i64: 1, 1>}, {pipeline_mode = #tpu.pipeline_mode<synchronous>, transform_indices = @transform_11, window_bounds = array<i64: 1, 1>}, {pipeline_mode = #tpu.pipeline_mode<synchronous>, transform_indices = @transform_12, window_bounds = array<i64: 1, 1>}, {pipeline_mode = #tpu.pipeline_mode<synchronous>, transform_indices = @transform_13, window_bounds = array<i64: 1, 1>}, {pipeline_mode = #tpu.pipeline_mode<synchronous>, transform_indices = @transform_14, window_bounds = array<i64: 1, 1>}]} {
    %eq3A = arith.constant 0 : i32
    %eq3A_0 = arith.cmpi eq, %arg0, %eq3A : i32
    %convert_element_type3A = arith.extui %eq3A_0 : i1 to i32
    %cond3A = arith.constant 0 : i32
    %cond3A_1 = arith.cmpi ne, %convert_element_type3A, %cond3A : i32
    scf.if %cond3A_1 {
      %broadcast_in_dim3A_985 = arith.constant 0.000000e+00 : f32
      %broadcast_in_dim3A_986 = vector.broadcast %broadcast_in_dim3A_985 : f32 to vector<1x1xf32>
      %swap3A_987 = arith.constant 0 : index
      %swap3A_988 = arith.constant 0 : index
      %swap3A_989 = vector.load %arg11[%swap3A_987, %swap3A_988] : memref<1x1xf32, #tpu.memory_space<vmem>>, vector<1x1xf32>
      tpu.vector_store %arg11[%swap3A_987, %swap3A_988], %broadcast_in_dim3A_986 {strides = array<i32>} : memref<1x1xf32, #tpu.memory_space<vmem>>, vector<1x1xf32>,
      %swap3A_990 = arith.constant 0 : index
      %swap3A_991 = arith.constant 0 : index
      %swap3A_992 = vector.load %arg12[%swap3A_990, %swap3A_991] : memref<1x1xf32, #tpu.memory_space<vmem>>, vector<1x1xf32>
      tpu.vector_store %arg12[%swap3A_990, %swap3A_991], %broadcast_in_dim3A_986 {strides = array<i32>} : memref<1x1xf32, #tpu.memory_space<vmem>>, vector<1x1xf32>,
      %swap3A_993 = arith.constant 0 : index
      %swap3A_994 = arith.constant 0 : index
      %swap3A_995 = vector.load %arg13[%swap3A_993, %swap3A_994] : memref<1x1xf32, #tpu.memory_space<vmem>>, vector<1x1xf32>
      tpu.vector_store %arg13[%swap3A_993, %swap3A_994], %broadcast_in_dim3A_986 {strides = array<i32>} : memref<1x1xf32, #tpu.memory_space<vmem>>, vector<1x1xf32>,
      %swap3A_996 = arith.constant 0 : index
      %swap3A_997 = arith.constant 0 : index
      %swap3A_998 = vector.load %arg14[%swap3A_996, %swap3A_997] : memref<1x1xf32, #tpu.memory_space<vmem>>, vector<1x1xf32>
      tpu.vector_store %arg14[%swap3A_996, %swap3A_997], %broadcast_in_dim3A_986 {strides = array<i32>} : memref<1x1xf32, #tpu.memory_space<vmem>>, vector<1x1xf32>,
      %swap3A_999 = arith.constant 0 : index
      %swap3A_1000 = arith.constant 0 : index
      %swap3A_1001 = vector.load %arg15[%swap3A_999, %swap3A_1000] : memref<1x1xf32, #tpu.memory_space<vmem>>, vector<1x1xf32>
      tpu.vector_store %arg15[%swap3A_999, %swap3A_1000], %broadcast_in_dim3A_986 {strides = array<i32>} : memref<1x1xf32, #tpu.memory_space<vmem>>, vector<1x1xf32>,
    } else {
    }
    %get3A = arith.constant 0 : index
    %get3A_2 = arith.constant 0 : index
    %get3A_3 = arith.constant 0 : index
    %get3A_4 = vector.load %arg1[%get3A, %get3A_2, %get3A_3] : memref<1x778x3xf32, #tpu.memory_space<vmem>>, vector<1x778x3xf32>
    %get3A_5 = vector.shape_cast %get3A_4 : vector<1x778x3xf32> to vector<778x3xf32>
    %get3A_6 = arith.constant 0 : index
    %get3A_7 = arith.constant 0 : index
    %get3A_8 = arith.constant 0 : index
    %get3A_9 = vector.load %arg2[%get3A_6, %get3A_7, %get3A_8] : memref<1x778x3xf32, #tpu.memory_space<vmem>>, vector<1x778x3xf32>
    %get3A_10 = vector.shape_cast %get3A_9 : vector<1x778x3xf32> to vector<778x3xf32>
    %get3A_11 = arith.constant 0 : index
    %get3A_12 = arith.constant 0 : index
    %get3A_13 = vector.load %arg6[%get3A_11, %get3A_12] : memref<778x1xf32, #tpu.memory_space<vmem>>, vector<778x1xf32>
    %get3A_14 = arith.constant 0 : index
    %get3A_15 = arith.constant 0 : index
    %get3A_16 = arith.constant 0 : index
    %get3A_17 = vector.load %arg7[%get3A_14, %get3A_15, %get3A_16] : memref<1x1x61xf32, #tpu.memory_space<vmem>>, vector<1x1x61xf32>
    %get3A_18 = vector.shape_cast %get3A_17 : vector<1x1x61xf32> to vector<1x61xf32>
    %get3A_19 = arith.constant 0 : index
    %get3A_20 = arith.constant 0 : index
    %get3A_21 = arith.constant 0 : index
    %get3A_22 = vector.load %arg8[%get3A_19, %get3A_20, %get3A_21] : memref<1x1x61xf32, #tpu.memory_space<vmem>>, vector<1x1x61xf32>
    %get3A_23 = vector.shape_cast %get3A_22 : vector<1x1x61xf32> to vector<1x61xf32>
    %get3A_24 = arith.constant 0 : index
    %get3A_25 = arith.constant 0 : index
    %get3A_26 = arith.constant 0 : index
    %get3A_27 = vector.load %arg9[%get3A_24, %get3A_25, %get3A_26] : memref<1x1x64xf32, #tpu.memory_space<vmem>>, vector<1x1x64xf32>
    %get3A_28 = vector.shape_cast %get3A_27 : vector<1x1x64xf32> to vector<1x64xf32>
    %get3A_29 = arith.constant 0 : index
    %get3A_30 = arith.constant 0 : index
    %get3A_31 = arith.constant 0 : index
    %get3A_32 = vector.load %arg10[%get3A_29, %get3A_30, %get3A_31] : memref<1x1x64xf32, #tpu.memory_space<vmem>>, vector<1x1x64xf32>
    %get3A_33 = vector.shape_cast %get3A_32 : vector<1x1x64xf32> to vector<1x64xf32>
    %get3A_34 = arith.constant 0 : index
    %get3A_35 = arith.constant 0 : index
    %get3A_36 = arith.constant 0 : index
    %get3A_37 = arith.constant 0 : index
    %get3A_38 = vector.load %arg3[%get3A_34, %get3A_35, %get3A_36, %get3A_37] : memref<1x2x778x3xf32, #tpu.memory_space<vmem>>, vector<1x1x778x3xf32>
    %get3A_39 = vector.shape_cast %get3A_38 : vector<1x1x778x3xf32> to vector<778x3xf32>
    %mul3A = arith.mulf %get3A_39, %get3A_39 : vector<778x3xf32>
    %reduce_sum3A = arith.constant dense<0.000000e+00> : vector<778xf32>
    %reduce_sum3A_40 = vector.multi_reduction <add>, %mul3A, %reduce_sum3A [1] : vector<778x3xf32> to vector<778xf32>
    %broadcast_in_dim3A = vector.shape_cast %reduce_sum3A_40 : vector<778xf32> to vector<778x1xf32>
    %sqrt3A = math.sqrt %broadcast_in_dim3A : vector<778x1xf32>
    %max3A = arith.constant 9.99999997E-7 : f32
    %max3A_41 = vector.broadcast %max3A : f32 to vector<778x1xf32>
    %max3A_42 = arith.maximumf %sqrt3A, %max3A_41 : vector<778x1xf32>
    %div3A = vector.broadcast %max3A_42 : vector<778x1xf32> to vector<778x3xf32>
    %div3A_43 = arith.divf %get3A_39, %div3A : vector<778x3xf32>
    %concatenate3A = tpu.concatenate %get3A_5, %div3A_43 in 1 : vector<778x3xf32>, vector<778x3xf32> -> vector<778x6xf32>
    %get3A_44 = arith.constant 0 : index
    %get3A_45 = arith.constant 1 : index
    %get3A_46 = arith.constant 0 : index
    %get3A_47 = arith.constant 0 : index
    %get3A_48 = vector.load %arg3[%get3A_44, %get3A_45, %get3A_46, %get3A_47] : memref<1x2x778x3xf32, #tpu.memory_space<vmem>>, vector<1x1x778x3xf32>
    %get3A_49 = vector.shape_cast %get3A_48 : vector<1x1x778x3xf32> to vector<778x3xf32>
    %mul3A_50 = arith.mulf %get3A_49, %get3A_49 : vector<778x3xf32>
    %reduce_sum3A_51 = arith.constant dense<0.000000e+00> : vector<778xf32>
    %reduce_sum3A_52 = vector.multi_reduction <add>, %mul3A_50, %reduce_sum3A_51 [1] : vector<778x3xf32> to vector<778xf32>
    %broadcast_in_dim3A_53 = vector.shape_cast %reduce_sum3A_52 : vector<778xf32> to vector<778x1xf32>
    %sqrt3A_54 = math.sqrt %broadcast_in_dim3A_53 : vector<778x1xf32>
    %max3A_55 = arith.constant 9.99999997E-7 : f32
    %max3A_56 = vector.broadcast %max3A_55 : f32 to vector<778x1xf32>
    %max3A_57 = arith.maximumf %sqrt3A_54, %max3A_56 : vector<778x1xf32>
    %div3A_58 = vector.broadcast %max3A_57 : vector<778x1xf32> to vector<778x3xf32>
    %div3A_59 = arith.divf %get3A_49, %div3A_58 : vector<778x3xf32>
    %concatenate3A_60 = tpu.concatenate %get3A_10, %div3A_59 in 1 : vector<778x3xf32>, vector<778x3xf32> -> vector<778x6xf32>
    %mul3A_61 = arith.mulf %get3A_5, %get3A_5 : vector<778x3xf32>
    %reduce_sum3A_62 = arith.constant dense<0.000000e+00> : vector<778xf32>
    %reduce_sum3A_63 = vector.multi_reduction <add>, %mul3A_61, %reduce_sum3A_62 [1] : vector<778x3xf32> to vector<778xf32>
    %broadcast_in_dim3A_64 = vector.shape_cast %reduce_sum3A_63 : vector<778xf32> to vector<778x1xf32>
    %mul3A_65 = arith.mulf %get3A_10, %get3A_10 : vector<778x3xf32>
    %reduce_sum3A_66 = arith.constant dense<0.000000e+00> : vector<778xf32>
    %reduce_sum3A_67 = vector.multi_reduction <add>, %mul3A_65, %reduce_sum3A_66 [1] : vector<778x3xf32> to vector<778xf32>
    %broadcast_in_dim3A_68 = vector.shape_cast %reduce_sum3A_67 : vector<778xf32> to vector<778x1xf32>
    %iota3A = tpu.iota {dimensions = array<i32: 0>} : vector<778x512xi32>
    %iota3A_69 = tpu.iota {dimensions = array<i32: 1>} : vector<778x512xi32>
    %broadcast_in_dim3A_70 = arith.constant 2147483647 : i32
    %broadcast_in_dim3A_71 = vector.broadcast %broadcast_in_dim3A_70 : i32 to vector<778x1xi32>
    %broadcast_in_dim3A_72 = arith.constant 0.000000e+00 : f32
    %broadcast_in_dim3A_73 = vector.broadcast %broadcast_in_dim3A_72 : f32 to vector<778x3xf32>
    %broadcast_in_dim3A_74 = arith.constant 2147483647 : i32
    %broadcast_in_dim3A_75 = vector.broadcast %broadcast_in_dim3A_74 : i32 to vector<778x1xi32>
    %broadcast_in_dim3A_76 = arith.constant 0.000000e+00 : f32
    %broadcast_in_dim3A_77 = vector.broadcast %broadcast_in_dim3A_76 : f32 to vector<778x3xf32>
    %get3A_78 = arith.constant 0 : index
    %get3A_79 = arith.constant 0 : index
    %get3A_80 = arith.constant 0 : index
    %get3A_81 = vector.load %arg4[%get3A_78, %get3A_79, %get3A_80] : memref<1x3x2048xf32, #tpu.memory_space<vmem>>, vector<1x3x512xf32>
    %get3A_82 = vector.shape_cast %get3A_81 : vector<1x3x512xf32> to vector<3x512xf32>
    %get3A_83 = arith.constant 0 : index
    %get3A_84 = arith.constant 0 : index
    %get3A_85 = arith.constant 0 : index
    %get3A_86 = vector.load %arg5[%get3A_83, %get3A_84, %get3A_85] : memref<1x2048x3xf32, #tpu.memory_space<vmem>>, vector<1x512x3xf32>
    %get3A_87 = vector.shape_cast %get3A_86 : vector<1x512x3xf32> to vector<512x3xf32>
    %mul3A_88 = arith.mulf %get3A_82, %get3A_82 : vector<3x512xf32>
    %reduce_sum3A_89 = arith.constant dense<0.000000e+00> : vector<512xf32>
    %reduce_sum3A_90 = vector.multi_reduction <add>, %mul3A_88, %reduce_sum3A_89 [0] : vector<3x512xf32> to vector<512xf32>
    %broadcast_in_dim3A_91 = vector.shape_cast %reduce_sum3A_90 : vector<512xf32> to vector<1x512xf32>
    %add3A = vector.broadcast %broadcast_in_dim3A_64 : vector<778x1xf32> to vector<778x512xf32>
    %add3A_92 = vector.broadcast %broadcast_in_dim3A_91 : vector<1x512xf32> to vector<778x512xf32>
    %add3A_93 = arith.addf %add3A, %add3A_92 : vector<778x512xf32>
    %dot_general3A = arith.constant dense<0.000000e+00> : vector<778x512xf32>
    %dot_general3A_94 = tpu.matmul %get3A_5, %get3A_82, %dot_general3A {dimension_numbers = #tpu.dot_dimension_numbers<[1], [0], [0], [1], [0, 0, 1, 1], [], []>, transpose_lhs_hint = false} : vector<778x3xf32>, vector<3x512xf32>, vector<778x512xf32> -> vector<778x512xf32>
    %mul3A_95 = arith.constant 2.000000e+00 : f32
    %mul3A_96 = vector.broadcast %mul3A_95 : f32 to vector<778x512xf32>
    %mul3A_97 = arith.mulf %mul3A_96, %dot_general3A_94 : vector<778x512xf32>
    %sub3A = arith.subf %add3A_93, %mul3A_97 : vector<778x512xf32>
    %max3A_98 = arith.constant 0.000000e+00 : f32
    %max3A_99 = vector.broadcast %max3A_98 : f32 to vector<778x512xf32>
    %max3A_100 = arith.maximumf %sub3A, %max3A_99 : vector<778x512xf32>
    %bitcast_convert_type3A = tpu.bitcast %max3A_100 : vector<778x512xf32> -> vector<778x512xi32>
    %and3A = arith.constant -1024 : i32
    %and3A_101 = vector.broadcast %and3A : i32 to vector<778x512xi32>
    %and3A_102 = arith.andi %bitcast_convert_type3A, %and3A_101 : vector<778x512xi32>
    %or3A = arith.ori %and3A_102, %iota3A : vector<778x512xi32>
    %reduce_min3A = arith.constant dense<2147483647> : vector<512xi32>
    %reduce_min3A_103 = vector.multi_reduction <minsi>, %or3A, %reduce_min3A [0] : vector<778x512xi32> to vector<512xi32>
    %broadcast_in_dim3A_104 = vector.shape_cast %reduce_min3A_103 : vector<512xi32> to vector<1x512xi32>
    %eq3A_105 = vector.broadcast %broadcast_in_dim3A_104 : vector<1x512xi32> to vector<778x512xi32>
    %eq3A_106 = arith.cmpi eq, %or3A, %eq3A_105 : vector<778x512xi32>
    %convert_element_type3A_107 = arith.extui %eq3A_106 : vector<778x512xi1> to vector<778x512xi32>
    %convert_element_type3A_108 = arith.sitofp %convert_element_type3A_107 : vector<778x512xi32> to vector<778x512xf32>
    %dot_general3A_109 = arith.constant dense<0.000000e+00> : vector<512x6xf32>
    %dot_general3A_110 = tpu.matmul %convert_element_type3A_108, %concatenate3A, %dot_general3A_109 {dimension_numbers = #tpu.dot_dimension_numbers<[0], [0], [1], [1], [0, 1, 1, 1], [], []>, transpose_lhs_hint = false} : vector<778x512xf32>, vector<778x6xf32>, vector<512x6xf32> -> vector<512x6xf32>
    %slice3A = vector.extract_strided_slice %get3A_87 {offsets = [0, 0], sizes = [512, 1], strides = [1, 1]} : vector<512x3xf32> to vector<512x1xf32>
    %slice3A_111 = vector.extract_strided_slice %dot_general3A_110 {offsets = [0, 0], sizes = [512, 1], strides = [1, 1]} : vector<512x6xf32> to vector<512x1xf32>
    %sub3A_112 = arith.subf %slice3A, %slice3A_111 : vector<512x1xf32>
    %slice3A_113 = vector.extract_strided_slice %get3A_87 {offsets = [0, 1], sizes = [512, 1], strides = [1, 1]} : vector<512x3xf32> to vector<512x1xf32>
    %slice3A_114 = vector.extract_strided_slice %dot_general3A_110 {offsets = [0, 1], sizes = [512, 1], strides = [1, 1]} : vector<512x6xf32> to vector<512x1xf32>
    %sub3A_115 = arith.subf %slice3A_113, %slice3A_114 : vector<512x1xf32>
    %slice3A_116 = vector.extract_strided_slice %get3A_87 {offsets = [0, 2], sizes = [512, 1], strides = [1, 1]} : vector<512x3xf32> to vector<512x1xf32>
    %slice3A_117 = vector.extract_strided_slice %dot_general3A_110 {offsets = [0, 2], sizes = [512, 1], strides = [1, 1]} : vector<512x6xf32> to vector<512x1xf32>
    %sub3A_118 = arith.subf %slice3A_116, %slice3A_117 : vector<512x1xf32>
    %mul3A_119 = arith.mulf %sub3A_112, %sub3A_112 : vector<512x1xf32>
    %mul3A_120 = arith.mulf %sub3A_115, %sub3A_115 : vector<512x1xf32>
    %add3A_121 = arith.addf %mul3A_119, %mul3A_120 : vector<512x1xf32>
    %mul3A_122 = arith.mulf %sub3A_118, %sub3A_118 : vector<512x1xf32>
    %add3A_123 = arith.addf %add3A_121, %mul3A_122 : vector<512x1xf32>
    %sqrt3A_124 = math.sqrt %add3A_123 : vector<512x1xf32>
    %slice3A_125 = vector.extract_strided_slice %dot_general3A_110 {offsets = [0, 3], sizes = [512, 1], strides = [1, 1]} : vector<512x6xf32> to vector<512x1xf32>
    %mul3A_126 = arith.mulf %slice3A_125, %sub3A_112 : vector<512x1xf32>
    %slice3A_127 = vector.extract_strided_slice %dot_general3A_110 {offsets = [0, 4], sizes = [512, 1], strides = [1, 1]} : vector<512x6xf32> to vector<512x1xf32>
    %mul3A_128 = arith.mulf %slice3A_127, %sub3A_115 : vector<512x1xf32>
    %add3A_129 = arith.addf %mul3A_126, %mul3A_128 : vector<512x1xf32>
    %slice3A_130 = vector.extract_strided_slice %dot_general3A_110 {offsets = [0, 5], sizes = [512, 1], strides = [1, 1]} : vector<512x6xf32> to vector<512x1xf32>
    %mul3A_131 = arith.mulf %slice3A_130, %sub3A_118 : vector<512x1xf32>
    %add3A_132 = arith.addf %add3A_129, %mul3A_131 : vector<512x1xf32>
    %gt3A = arith.constant 0.000000e+00 : f32
    %gt3A_133 = vector.broadcast %gt3A : f32 to vector<512x1xf32>
    %gt3A_134 = arith.cmpf ogt, %add3A_132, %gt3A_133 : vector<512x1xf32>
    %lt3A = arith.constant 0.000000e+00 : f32
    %lt3A_135 = vector.broadcast %lt3A : f32 to vector<512x1xf32>
    %lt3A_136 = arith.cmpf olt, %add3A_132, %lt3A_135 : vector<512x1xf32>
    %jit3A = arith.constant -1.000000e+00 : f32
    %jit3A_137 = arith.constant 0.000000e+00 : f32
    %broadcast_in_dim3A_138 = vector.broadcast %jit3A : f32 to vector<512x1xf32>
    %broadcast_in_dim3A_139 = vector.broadcast %jit3A_137 : f32 to vector<512x1xf32>
    %select_n3A = arith.select %lt3A_136, %broadcast_in_dim3A_138, %broadcast_in_dim3A_139 : vector<512x1xi1>, vector<512x1xf32>
    %jit3A_140 = arith.constant 1.000000e+00 : f32
    %broadcast_in_dim3A_141 = vector.broadcast %jit3A_140 : f32 to vector<512x1xf32>
    %select_n3A_142 = arith.select %gt3A_134, %broadcast_in_dim3A_141, %select_n3A : vector<512x1xi1>, vector<512x1xf32>
    %or3A_143 = arith.ori %and3A_102, %iota3A_69 : vector<778x512xi32>
    %reduce_min3A_144 = arith.constant dense<2147483647> : vector<778xi32>
    %reduce_min3A_145 = vector.multi_reduction <minsi>, %or3A_143, %reduce_min3A_144 [1] : vector<778x512xi32> to vector<778xi32>
    %broadcast_in_dim3A_146 = vector.shape_cast %reduce_min3A_145 : vector<778xi32> to vector<778x1xi32>
    %eq3A_147 = vector.broadcast %broadcast_in_dim3A_146 : vector<778x1xi32> to vector<778x512xi32>
    %eq3A_148 = arith.cmpi eq, %or3A_143, %eq3A_147 : vector<778x512xi32>
    %convert_element_type3A_149 = arith.extui %eq3A_148 : vector<778x512xi1> to vector<778x512xi32>
    %convert_element_type3A_150 = arith.sitofp %convert_element_type3A_149 : vector<778x512xi32> to vector<778x512xf32>
    %dot_general3A_151 = arith.constant dense<0.000000e+00> : vector<778x3xf32>
    %dot_general3A_152 = tpu.matmul %convert_element_type3A_150, %get3A_87, %dot_general3A_151 {dimension_numbers = #tpu.dot_dimension_numbers<[1], [0], [0], [1], [0, 0, 1, 1], [], []>, transpose_lhs_hint = false} : vector<778x512xf32>, vector<512x3xf32>, vector<778x3xf32> -> vector<778x3xf32>
    %lt3A_153 = arith.cmpi slt, %broadcast_in_dim3A_146, %broadcast_in_dim3A_71 : vector<778x1xi32>
    %select_n3A_154 = arith.select %lt3A_153, %broadcast_in_dim3A_146, %broadcast_in_dim3A_71 : vector<778x1xi1>, vector<778x1xi32>
    %broadcast_in_dim3A_155 = vector.shape_cast %lt3A_153 : vector<778x1xi1> to vector<778x1xi1>
    %broadcast_in_dim3A_156 = vector.broadcast %broadcast_in_dim3A_155 : vector<778x1xi1> to vector<778x3xi1>
    %select_n3A_157 = arith.select %broadcast_in_dim3A_156, %dot_general3A_152, %broadcast_in_dim3A_73 : vector<778x3xi1>, vector<778x3xf32>
    %mul3A_158 = arith.mulf %sqrt3A_124, %select_n3A_142 : vector<512x1xf32>
    %add3A_159 = vector.broadcast %broadcast_in_dim3A_68 : vector<778x1xf32> to vector<778x512xf32>
    %add3A_160 = vector.broadcast %broadcast_in_dim3A_91 : vector<1x512xf32> to vector<778x512xf32>
    %add3A_161 = arith.addf %add3A_159, %add3A_160 : vector<778x512xf32>
    %dot_general3A_162 = arith.constant dense<0.000000e+00> : vector<778x512xf32>
    %dot_general3A_163 = tpu.matmul %get3A_10, %get3A_82, %dot_general3A_162 {dimension_numbers = #tpu.dot_dimension_numbers<[1], [0], [0], [1], [0, 0, 1, 1], [], []>, transpose_lhs_hint = false} : vector<778x3xf32>, vector<3x512xf32>, vector<778x512xf32> -> vector<778x512xf32>
    %mul3A_164 = arith.constant 2.000000e+00 : f32
    %mul3A_165 = vector.broadcast %mul3A_164 : f32 to vector<778x512xf32>
    %mul3A_166 = arith.mulf %mul3A_165, %dot_general3A_163 : vector<778x512xf32>
    %sub3A_167 = arith.subf %add3A_161, %mul3A_166 : vector<778x512xf32>
    %max3A_168 = arith.constant 0.000000e+00 : f32
    %max3A_169 = vector.broadcast %max3A_168 : f32 to vector<778x512xf32>
    %max3A_170 = arith.maximumf %sub3A_167, %max3A_169 : vector<778x512xf32>
    %bitcast_convert_type3A_171 = tpu.bitcast %max3A_170 : vector<778x512xf32> -> vector<778x512xi32>
    %and3A_172 = arith.constant -1024 : i32
    %and3A_173 = vector.broadcast %and3A_172 : i32 to vector<778x512xi32>
    %and3A_174 = arith.andi %bitcast_convert_type3A_171, %and3A_173 : vector<778x512xi32>
    %or3A_175 = arith.ori %and3A_174, %iota3A : vector<778x512xi32>
    %reduce_min3A_176 = arith.constant dense<2147483647> : vector<512xi32>
    %reduce_min3A_177 = vector.multi_reduction <minsi>, %or3A_175, %reduce_min3A_176 [0] : vector<778x512xi32> to vector<512xi32>
    %broadcast_in_dim3A_178 = vector.shape_cast %reduce_min3A_177 : vector<512xi32> to vector<1x512xi32>
    %eq3A_179 = vector.broadcast %broadcast_in_dim3A_178 : vector<1x512xi32> to vector<778x512xi32>
    %eq3A_180 = arith.cmpi eq, %or3A_175, %eq3A_179 : vector<778x512xi32>
    %convert_element_type3A_181 = arith.extui %eq3A_180 : vector<778x512xi1> to vector<778x512xi32>
    %convert_element_type3A_182 = arith.sitofp %convert_element_type3A_181 : vector<778x512xi32> to vector<778x512xf32>
    %dot_general3A_183 = arith.constant dense<0.000000e+00> : vector<512x6xf32>
    %dot_general3A_184 = tpu.matmul %convert_element_type3A_182, %concatenate3A_60, %dot_general3A_183 {dimension_numbers = #tpu.dot_dimension_numbers<[0], [0], [1], [1], [0, 1, 1, 1], [], []>, transpose_lhs_hint = false} : vector<778x512xf32>, vector<778x6xf32>, vector<512x6xf32> -> vector<512x6xf32>
    %slice3A_185 = vector.extract_strided_slice %get3A_87 {offsets = [0, 0], sizes = [512, 1], strides = [1, 1]} : vector<512x3xf32> to vector<512x1xf32>
    %slice3A_186 = vector.extract_strided_slice %dot_general3A_184 {offsets = [0, 0], sizes = [512, 1], strides = [1, 1]} : vector<512x6xf32> to vector<512x1xf32>
    %sub3A_187 = arith.subf %slice3A_185, %slice3A_186 : vector<512x1xf32>
    %slice3A_188 = vector.extract_strided_slice %get3A_87 {offsets = [0, 1], sizes = [512, 1], strides = [1, 1]} : vector<512x3xf32> to vector<512x1xf32>
    %slice3A_189 = vector.extract_strided_slice %dot_general3A_184 {offsets = [0, 1], sizes = [512, 1], strides = [1, 1]} : vector<512x6xf32> to vector<512x1xf32>
    %sub3A_190 = arith.subf %slice3A_188, %slice3A_189 : vector<512x1xf32>
    %slice3A_191 = vector.extract_strided_slice %get3A_87 {offsets = [0, 2], sizes = [512, 1], strides = [1, 1]} : vector<512x3xf32> to vector<512x1xf32>
    %slice3A_192 = vector.extract_strided_slice %dot_general3A_184 {offsets = [0, 2], sizes = [512, 1], strides = [1, 1]} : vector<512x6xf32> to vector<512x1xf32>
    %sub3A_193 = arith.subf %slice3A_191, %slice3A_192 : vector<512x1xf32>
    %mul3A_194 = arith.mulf %sub3A_187, %sub3A_187 : vector<512x1xf32>
    %mul3A_195 = arith.mulf %sub3A_190, %sub3A_190 : vector<512x1xf32>
    %add3A_196 = arith.addf %mul3A_194, %mul3A_195 : vector<512x1xf32>
    %mul3A_197 = arith.mulf %sub3A_193, %sub3A_193 : vector<512x1xf32>
    %add3A_198 = arith.addf %add3A_196, %mul3A_197 : vector<512x1xf32>
    %sqrt3A_199 = math.sqrt %add3A_198 : vector<512x1xf32>
    %slice3A_200 = vector.extract_strided_slice %dot_general3A_184 {offsets = [0, 3], sizes = [512, 1], strides = [1, 1]} : vector<512x6xf32> to vector<512x1xf32>
    %mul3A_201 = arith.mulf %slice3A_200, %sub3A_187 : vector<512x1xf32>
    %slice3A_202 = vector.extract_strided_slice %dot_general3A_184 {offsets = [0, 4], sizes = [512, 1], strides = [1, 1]} : vector<512x6xf32> to vector<512x1xf32>
    %mul3A_203 = arith.mulf %slice3A_202, %sub3A_190 : vector<512x1xf32>
    %add3A_204 = arith.addf %mul3A_201, %mul3A_203 : vector<512x1xf32>
    %slice3A_205 = vector.extract_strided_slice %dot_general3A_184 {offsets = [0, 5], sizes = [512, 1], strides = [1, 1]} : vector<512x6xf32> to vector<512x1xf32>
    %mul3A_206 = arith.mulf %slice3A_205, %sub3A_193 : vector<512x1xf32>
    %add3A_207 = arith.addf %add3A_204, %mul3A_206 : vector<512x1xf32>
    %gt3A_208 = arith.constant 0.000000e+00 : f32
    %gt3A_209 = vector.broadcast %gt3A_208 : f32 to vector<512x1xf32>
    %gt3A_210 = arith.cmpf ogt, %add3A_207, %gt3A_209 : vector<512x1xf32>
    %lt3A_211 = arith.constant 0.000000e+00 : f32
    %lt3A_212 = vector.broadcast %lt3A_211 : f32 to vector<512x1xf32>
    %lt3A_213 = arith.cmpf olt, %add3A_207, %lt3A_212 : vector<512x1xf32>
    %jit3A_214 = arith.constant -1.000000e+00 : f32
    %jit3A_215 = arith.constant 0.000000e+00 : f32
    %broadcast_in_dim3A_216 = vector.broadcast %jit3A_214 : f32 to vector<512x1xf32>
    %broadcast_in_dim3A_217 = vector.broadcast %jit3A_215 : f32 to vector<512x1xf32>
    %select_n3A_218 = arith.select %lt3A_213, %broadcast_in_dim3A_216, %broadcast_in_dim3A_217 : vector<512x1xi1>, vector<512x1xf32>
    %jit3A_219 = arith.constant 1.000000e+00 : f32
    %broadcast_in_dim3A_220 = vector.broadcast %jit3A_219 : f32 to vector<512x1xf32>
    %select_n3A_221 = arith.select %gt3A_210, %broadcast_in_dim3A_220, %select_n3A_218 : vector<512x1xi1>, vector<512x1xf32>
    %or3A_222 = arith.ori %and3A_174, %iota3A_69 : vector<778x512xi32>
    %reduce_min3A_223 = arith.constant dense<2147483647> : vector<778xi32>
    %reduce_min3A_224 = vector.multi_reduction <minsi>, %or3A_222, %reduce_min3A_223 [1] : vector<778x512xi32> to vector<778xi32>
    %broadcast_in_dim3A_225 = vector.shape_cast %reduce_min3A_224 : vector<778xi32> to vector<778x1xi32>
    %eq3A_226 = vector.broadcast %broadcast_in_dim3A_225 : vector<778x1xi32> to vector<778x512xi32>
    %eq3A_227 = arith.cmpi eq, %or3A_222, %eq3A_226 : vector<778x512xi32>
    %convert_element_type3A_228 = arith.extui %eq3A_227 : vector<778x512xi1> to vector<778x512xi32>
    %convert_element_type3A_229 = arith.sitofp %convert_element_type3A_228 : vector<778x512xi32> to vector<778x512xf32>
    %dot_general3A_230 = arith.constant dense<0.000000e+00> : vector<778x3xf32>
    %dot_general3A_231 = tpu.matmul %convert_element_type3A_229, %get3A_87, %dot_general3A_230 {dimension_numbers = #tpu.dot_dimension_numbers<[1], [0], [0], [1], [0, 0, 1, 1], [], []>, transpose_lhs_hint = false} : vector<778x512xf32>, vector<512x3xf32>, vector<778x3xf32> -> vector<778x3xf32>
    %lt3A_232 = arith.cmpi slt, %broadcast_in_dim3A_225, %broadcast_in_dim3A_75 : vector<778x1xi32>
    %select_n3A_233 = arith.select %lt3A_232, %broadcast_in_dim3A_225, %broadcast_in_dim3A_75 : vector<778x1xi1>, vector<778x1xi32>
    %broadcast_in_dim3A_234 = vector.shape_cast %lt3A_232 : vector<778x1xi1> to vector<778x1xi1>
    %broadcast_in_dim3A_235 = vector.broadcast %broadcast_in_dim3A_234 : vector<778x1xi1> to vector<778x3xi1>
    %select_n3A_236 = arith.select %broadcast_in_dim3A_235, %dot_general3A_231, %broadcast_in_dim3A_77 : vector<778x3xi1>, vector<778x3xf32>
    %mul3A_237 = arith.mulf %sqrt3A_199, %select_n3A_221 : vector<512x1xf32>
    %lt3A_238 = arith.constant 0.00999999977 : f32
    %lt3A_239 = vector.broadcast %lt3A_238 : f32 to vector<512x1xf32>
    %lt3A_240 = arith.cmpf olt, %mul3A_237, %lt3A_239 : vector<512x1xf32>
    %gt3A_241 = arith.constant -5.000000e-03 : f32
    %gt3A_242 = vector.broadcast %gt3A_241 : f32 to vector<512x1xf32>
    %gt3A_243 = arith.cmpf ogt, %mul3A_237, %gt3A_242 : vector<512x1xf32>
    %and3A_244 = arith.andi %lt3A_240, %gt3A_243 : vector<512x1xi1>
    %jit3A_245 = arith.constant 1.000000e+00 : f32
    %jit3A_246 = arith.constant 1.000000e-01 : f32
    %broadcast_in_dim3A_247 = vector.broadcast %jit3A_245 : f32 to vector<512x1xf32>
    %broadcast_in_dim3A_248 = vector.broadcast %jit3A_246 : f32 to vector<512x1xf32>
    %select_n3A_249 = arith.select %and3A_244, %broadcast_in_dim3A_247, %broadcast_in_dim3A_248 : vector<512x1xi1>, vector<512x1xf32>
    %lt3A_250 = arith.constant 0.000000e+00 : f32
    %lt3A_251 = vector.broadcast %lt3A_250 : f32 to vector<512x1xf32>
    %lt3A_252 = arith.cmpf olt, %mul3A_158, %lt3A_251 : vector<512x1xf32>
    %jit3A_253 = arith.constant 1.500000e+00 : f32
    %broadcast_in_dim3A_254 = vector.broadcast %jit3A_253 : f32 to vector<512x1xf32>
    %select_n3A_255 = arith.select %lt3A_252, %broadcast_in_dim3A_254, %select_n3A_249 : vector<512x1xi1>, vector<512x1xf32>
    %sub3A_256 = arith.subf %mul3A_158, %mul3A_237 : vector<512x1xf32>
    %abs3A = math.absf %sub3A_256 : vector<512x1xf32>
    %mul3A_257 = arith.mulf %abs3A, %select_n3A_255 : vector<512x1xf32>
    %reduce_sum3A_258 = vector.shape_cast %mul3A_257 : vector<512x1xf32> to vector<1x512x1xf32>
    %reduce_sum3A_259 = arith.constant dense<0.000000e+00> : vector<1xf32>
    %reduce_sum3A_260 = vector.multi_reduction <add>, %reduce_sum3A_258, %reduce_sum3A_259 [1, 2] : vector<1x512x1xf32> to vector<1xf32>
    %reduce_sum3A_261 = vector.shape_cast %reduce_sum3A_260 : vector<1xf32> to vector<1x1x1xf32>
    %reduce_sum3A_262 = vector.extract %reduce_sum3A_261[0, 0, 0] : f32 from vector<1x1x1xf32>
    %add3A_263 = arith.constant 0.000000e+00 : f32
    %add3A_264 = arith.addf %add3A_263, %reduce_sum3A_262 : f32
    %get3A_265 = arith.constant 0 : index
    %get3A_266 = arith.constant 0 : index
    %get3A_267 = arith.constant 512 : index
    %get3A_268 = vector.load %arg4[%get3A_265, %get3A_266, %get3A_267] : memref<1x3x2048xf32, #tpu.memory_space<vmem>>, vector<1x3x512xf32>
    %get3A_269 = vector.shape_cast %get3A_268 : vector<1x3x512xf32> to vector<3x512xf32>
    %get3A_270 = arith.constant 0 : index
    %get3A_271 = arith.constant 512 : index
    %get3A_272 = arith.constant 0 : index
    %get3A_273 = vector.load %arg5[%get3A_270, %get3A_271, %get3A_272] : memref<1x2048x3xf32, #tpu.memory_space<vmem>>, vector<1x512x3xf32>
    %get3A_274 = vector.shape_cast %get3A_273 : vector<1x512x3xf32> to vector<512x3xf32>
    %mul3A_275 = arith.mulf %get3A_269, %get3A_269 : vector<3x512xf32>
    %reduce_sum3A_276 = arith.constant dense<0.000000e+00> : vector<512xf32>
    %reduce_sum3A_277 = vector.multi_reduction <add>, %mul3A_275, %reduce_sum3A_276 [0] : vector<3x512xf32> to vector<512xf32>
    %broadcast_in_dim3A_278 = vector.shape_cast %reduce_sum3A_277 : vector<512xf32> to vector<1x512xf32>
    %add3A_279 = vector.broadcast %broadcast_in_dim3A_64 : vector<778x1xf32> to vector<778x512xf32>
    %add3A_280 = vector.broadcast %broadcast_in_dim3A_278 : vector<1x512xf32> to vector<778x512xf32>
    %add3A_281 = arith.addf %add3A_279, %add3A_280 : vector<778x512xf32>
    %dot_general3A_282 = arith.constant dense<0.000000e+00> : vector<778x512xf32>
    %dot_general3A_283 = tpu.matmul %get3A_5, %get3A_269, %dot_general3A_282 {dimension_numbers = #tpu.dot_dimension_numbers<[1], [0], [0], [1], [0, 0, 1, 1], [], []>, transpose_lhs_hint = false} : vector<778x3xf32>, vector<3x512xf32>, vector<778x512xf32> -> vector<778x512xf32>
    %mul3A_284 = arith.constant 2.000000e+00 : f32
    %mul3A_285 = vector.broadcast %mul3A_284 : f32 to vector<778x512xf32>
    %mul3A_286 = arith.mulf %mul3A_285, %dot_general3A_283 : vector<778x512xf32>
    %sub3A_287 = arith.subf %add3A_281, %mul3A_286 : vector<778x512xf32>
    %max3A_288 = arith.constant 0.000000e+00 : f32
    %max3A_289 = vector.broadcast %max3A_288 : f32 to vector<778x512xf32>
    %max3A_290 = arith.maximumf %sub3A_287, %max3A_289 : vector<778x512xf32>
    %bitcast_convert_type3A_291 = tpu.bitcast %max3A_290 : vector<778x512xf32> -> vector<778x512xi32>
    %and3A_292 = arith.constant -1024 : i32
    %and3A_293 = vector.broadcast %and3A_292 : i32 to vector<778x512xi32>
    %and3A_294 = arith.andi %bitcast_convert_type3A_291, %and3A_293 : vector<778x512xi32>
    %or3A_295 = arith.ori %and3A_294, %iota3A : vector<778x512xi32>
    %reduce_min3A_296 = arith.constant dense<2147483647> : vector<512xi32>
    %reduce_min3A_297 = vector.multi_reduction <minsi>, %or3A_295, %reduce_min3A_296 [0] : vector<778x512xi32> to vector<512xi32>
    %broadcast_in_dim3A_298 = vector.shape_cast %reduce_min3A_297 : vector<512xi32> to vector<1x512xi32>
    %eq3A_299 = vector.broadcast %broadcast_in_dim3A_298 : vector<1x512xi32> to vector<778x512xi32>
    %eq3A_300 = arith.cmpi eq, %or3A_295, %eq3A_299 : vector<778x512xi32>
    %convert_element_type3A_301 = arith.extui %eq3A_300 : vector<778x512xi1> to vector<778x512xi32>
    %convert_element_type3A_302 = arith.sitofp %convert_element_type3A_301 : vector<778x512xi32> to vector<778x512xf32>
    %dot_general3A_303 = arith.constant dense<0.000000e+00> : vector<512x6xf32>
    %dot_general3A_304 = tpu.matmul %convert_element_type3A_302, %concatenate3A, %dot_general3A_303 {dimension_numbers = #tpu.dot_dimension_numbers<[0], [0], [1], [1], [0, 1, 1, 1], [], []>, transpose_lhs_hint = false} : vector<778x512xf32>, vector<778x6xf32>, vector<512x6xf32> -> vector<512x6xf32>
    %slice3A_305 = vector.extract_strided_slice %get3A_274 {offsets = [0, 0], sizes = [512, 1], strides = [1, 1]} : vector<512x3xf32> to vector<512x1xf32>
    %slice3A_306 = vector.extract_strided_slice %dot_general3A_304 {offsets = [0, 0], sizes = [512, 1], strides = [1, 1]} : vector<512x6xf32> to vector<512x1xf32>
    %sub3A_307 = arith.subf %slice3A_305, %slice3A_306 : vector<512x1xf32>
    %slice3A_308 = vector.extract_strided_slice %get3A_274 {offsets = [0, 1], sizes = [512, 1], strides = [1, 1]} : vector<512x3xf32> to vector<512x1xf32>
    %slice3A_309 = vector.extract_strided_slice %dot_general3A_304 {offsets = [0, 1], sizes = [512, 1], strides = [1, 1]} : vector<512x6xf32> to vector<512x1xf32>
    %sub3A_310 = arith.subf %slice3A_308, %slice3A_309 : vector<512x1xf32>
    %slice3A_311 = vector.extract_strided_slice %get3A_274 {offsets = [0, 2], sizes = [512, 1], strides = [1, 1]} : vector<512x3xf32> to vector<512x1xf32>
    %slice3A_312 = vector.extract_strided_slice %dot_general3A_304 {offsets = [0, 2], sizes = [512, 1], strides = [1, 1]} : vector<512x6xf32> to vector<512x1xf32>
    %sub3A_313 = arith.subf %slice3A_311, %slice3A_312 : vector<512x1xf32>
    %mul3A_314 = arith.mulf %sub3A_307, %sub3A_307 : vector<512x1xf32>
    %mul3A_315 = arith.mulf %sub3A_310, %sub3A_310 : vector<512x1xf32>
    %add3A_316 = arith.addf %mul3A_314, %mul3A_315 : vector<512x1xf32>
    %mul3A_317 = arith.mulf %sub3A_313, %sub3A_313 : vector<512x1xf32>
    %add3A_318 = arith.addf %add3A_316, %mul3A_317 : vector<512x1xf32>
    %sqrt3A_319 = math.sqrt %add3A_318 : vector<512x1xf32>
    %slice3A_320 = vector.extract_strided_slice %dot_general3A_304 {offsets = [0, 3], sizes = [512, 1], strides = [1, 1]} : vector<512x6xf32> to vector<512x1xf32>
    %mul3A_321 = arith.mulf %slice3A_320, %sub3A_307 : vector<512x1xf32>
    %slice3A_322 = vector.extract_strided_slice %dot_general3A_304 {offsets = [0, 4], sizes = [512, 1], strides = [1, 1]} : vector<512x6xf32> to vector<512x1xf32>
    %mul3A_323 = arith.mulf %slice3A_322, %sub3A_310 : vector<512x1xf32>
    %add3A_324 = arith.addf %mul3A_321, %mul3A_323 : vector<512x1xf32>
    %slice3A_325 = vector.extract_strided_slice %dot_general3A_304 {offsets = [0, 5], sizes = [512, 1], strides = [1, 1]} : vector<512x6xf32> to vector<512x1xf32>
    %mul3A_326 = arith.mulf %slice3A_325, %sub3A_313 : vector<512x1xf32>
    %add3A_327 = arith.addf %add3A_324, %mul3A_326 : vector<512x1xf32>
    %gt3A_328 = arith.constant 0.000000e+00 : f32
    %gt3A_329 = vector.broadcast %gt3A_328 : f32 to vector<512x1xf32>
    %gt3A_330 = arith.cmpf ogt, %add3A_327, %gt3A_329 : vector<512x1xf32>
    %lt3A_331 = arith.constant 0.000000e+00 : f32
    %lt3A_332 = vector.broadcast %lt3A_331 : f32 to vector<512x1xf32>
    %lt3A_333 = arith.cmpf olt, %add3A_327, %lt3A_332 : vector<512x1xf32>
    %jit3A_334 = arith.constant -1.000000e+00 : f32
    %jit3A_335 = arith.constant 0.000000e+00 : f32
    %broadcast_in_dim3A_336 = vector.broadcast %jit3A_334 : f32 to vector<512x1xf32>
    %broadcast_in_dim3A_337 = vector.broadcast %jit3A_335 : f32 to vector<512x1xf32>
    %select_n3A_338 = arith.select %lt3A_333, %broadcast_in_dim3A_336, %broadcast_in_dim3A_337 : vector<512x1xi1>, vector<512x1xf32>
    %jit3A_339 = arith.constant 1.000000e+00 : f32
    %broadcast_in_dim3A_340 = vector.broadcast %jit3A_339 : f32 to vector<512x1xf32>
    %select_n3A_341 = arith.select %gt3A_330, %broadcast_in_dim3A_340, %select_n3A_338 : vector<512x1xi1>, vector<512x1xf32>
    %or3A_342 = arith.ori %and3A_294, %iota3A_69 : vector<778x512xi32>
    %reduce_min3A_343 = arith.constant dense<2147483647> : vector<778xi32>
    %reduce_min3A_344 = vector.multi_reduction <minsi>, %or3A_342, %reduce_min3A_343 [1] : vector<778x512xi32> to vector<778xi32>
    %broadcast_in_dim3A_345 = vector.shape_cast %reduce_min3A_344 : vector<778xi32> to vector<778x1xi32>
    %eq3A_346 = vector.broadcast %broadcast_in_dim3A_345 : vector<778x1xi32> to vector<778x512xi32>
    %eq3A_347 = arith.cmpi eq, %or3A_342, %eq3A_346 : vector<778x512xi32>
    %convert_element_type3A_348 = arith.extui %eq3A_347 : vector<778x512xi1> to vector<778x512xi32>
    %convert_element_type3A_349 = arith.sitofp %convert_element_type3A_348 : vector<778x512xi32> to vector<778x512xf32>
    %dot_general3A_350 = arith.constant dense<0.000000e+00> : vector<778x3xf32>
    %dot_general3A_351 = tpu.matmul %convert_element_type3A_349, %get3A_274, %dot_general3A_350 {dimension_numbers = #tpu.dot_dimension_numbers<[1], [0], [0], [1], [0, 0, 1, 1], [], []>, transpose_lhs_hint = false} : vector<778x512xf32>, vector<512x3xf32>, vector<778x3xf32> -> vector<778x3xf32>
    %lt3A_352 = arith.cmpi slt, %broadcast_in_dim3A_345, %select_n3A_154 : vector<778x1xi32>
    %select_n3A_353 = arith.select %lt3A_352, %broadcast_in_dim3A_345, %select_n3A_154 : vector<778x1xi1>, vector<778x1xi32>
    %broadcast_in_dim3A_354 = vector.shape_cast %lt3A_352 : vector<778x1xi1> to vector<778x1xi1>
    %broadcast_in_dim3A_355 = vector.broadcast %broadcast_in_dim3A_354 : vector<778x1xi1> to vector<778x3xi1>
    %select_n3A_356 = arith.select %broadcast_in_dim3A_355, %dot_general3A_351, %select_n3A_157 : vector<778x3xi1>, vector<778x3xf32>
    %mul3A_357 = arith.mulf %sqrt3A_319, %select_n3A_341 : vector<512x1xf32>
    %add3A_358 = vector.broadcast %broadcast_in_dim3A_68 : vector<778x1xf32> to vector<778x512xf32>
    %add3A_359 = vector.broadcast %broadcast_in_dim3A_278 : vector<1x512xf32> to vector<778x512xf32>
    %add3A_360 = arith.addf %add3A_358, %add3A_359 : vector<778x512xf32>
    %dot_general3A_361 = arith.constant dense<0.000000e+00> : vector<778x512xf32>
    %dot_general3A_362 = tpu.matmul %get3A_10, %get3A_269, %dot_general3A_361 {dimension_numbers = #tpu.dot_dimension_numbers<[1], [0], [0], [1], [0, 0, 1, 1], [], []>, transpose_lhs_hint = false} : vector<778x3xf32>, vector<3x512xf32>, vector<778x512xf32> -> vector<778x512xf32>
    %mul3A_363 = arith.constant 2.000000e+00 : f32
    %mul3A_364 = vector.broadcast %mul3A_363 : f32 to vector<778x512xf32>
    %mul3A_365 = arith.mulf %mul3A_364, %dot_general3A_362 : vector<778x512xf32>
    %sub3A_366 = arith.subf %add3A_360, %mul3A_365 : vector<778x512xf32>
    %max3A_367 = arith.constant 0.000000e+00 : f32
    %max3A_368 = vector.broadcast %max3A_367 : f32 to vector<778x512xf32>
    %max3A_369 = arith.maximumf %sub3A_366, %max3A_368 : vector<778x512xf32>
    %bitcast_convert_type3A_370 = tpu.bitcast %max3A_369 : vector<778x512xf32> -> vector<778x512xi32>
    %and3A_371 = arith.constant -1024 : i32
    %and3A_372 = vector.broadcast %and3A_371 : i32 to vector<778x512xi32>
    %and3A_373 = arith.andi %bitcast_convert_type3A_370, %and3A_372 : vector<778x512xi32>
    %or3A_374 = arith.ori %and3A_373, %iota3A : vector<778x512xi32>
    %reduce_min3A_375 = arith.constant dense<2147483647> : vector<512xi32>
    %reduce_min3A_376 = vector.multi_reduction <minsi>, %or3A_374, %reduce_min3A_375 [0] : vector<778x512xi32> to vector<512xi32>
    %broadcast_in_dim3A_377 = vector.shape_cast %reduce_min3A_376 : vector<512xi32> to vector<1x512xi32>
    %eq3A_378 = vector.broadcast %broadcast_in_dim3A_377 : vector<1x512xi32> to vector<778x512xi32>
    %eq3A_379 = arith.cmpi eq, %or3A_374, %eq3A_378 : vector<778x512xi32>
    %convert_element_type3A_380 = arith.extui %eq3A_379 : vector<778x512xi1> to vector<778x512xi32>
    %convert_element_type3A_381 = arith.sitofp %convert_element_type3A_380 : vector<778x512xi32> to vector<778x512xf32>
    %dot_general3A_382 = arith.constant dense<0.000000e+00> : vector<512x6xf32>
    %dot_general3A_383 = tpu.matmul %convert_element_type3A_381, %concatenate3A_60, %dot_general3A_382 {dimension_numbers = #tpu.dot_dimension_numbers<[0], [0], [1], [1], [0, 1, 1, 1], [], []>, transpose_lhs_hint = false} : vector<778x512xf32>, vector<778x6xf32>, vector<512x6xf32> -> vector<512x6xf32>
    %slice3A_384 = vector.extract_strided_slice %get3A_274 {offsets = [0, 0], sizes = [512, 1], strides = [1, 1]} : vector<512x3xf32> to vector<512x1xf32>
    %slice3A_385 = vector.extract_strided_slice %dot_general3A_383 {offsets = [0, 0], sizes = [512, 1], strides = [1, 1]} : vector<512x6xf32> to vector<512x1xf32>
    %sub3A_386 = arith.subf %slice3A_384, %slice3A_385 : vector<512x1xf32>
    %slice3A_387 = vector.extract_strided_slice %get3A_274 {offsets = [0, 1], sizes = [512, 1], strides = [1, 1]} : vector<512x3xf32> to vector<512x1xf32>
    %slice3A_388 = vector.extract_strided_slice %dot_general3A_383 {offsets = [0, 1], sizes = [512, 1], strides = [1, 1]} : vector<512x6xf32> to vector<512x1xf32>
    %sub3A_389 = arith.subf %slice3A_387, %slice3A_388 : vector<512x1xf32>
    %slice3A_390 = vector.extract_strided_slice %get3A_274 {offsets = [0, 2], sizes = [512, 1], strides = [1, 1]} : vector<512x3xf32> to vector<512x1xf32>
    %slice3A_391 = vector.extract_strided_slice %dot_general3A_383 {offsets = [0, 2], sizes = [512, 1], strides = [1, 1]} : vector<512x6xf32> to vector<512x1xf32>
    %sub3A_392 = arith.subf %slice3A_390, %slice3A_391 : vector<512x1xf32>
    %mul3A_393 = arith.mulf %sub3A_386, %sub3A_386 : vector<512x1xf32>
    %mul3A_394 = arith.mulf %sub3A_389, %sub3A_389 : vector<512x1xf32>
    %add3A_395 = arith.addf %mul3A_393, %mul3A_394 : vector<512x1xf32>
    %mul3A_396 = arith.mulf %sub3A_392, %sub3A_392 : vector<512x1xf32>
    %add3A_397 = arith.addf %add3A_395, %mul3A_396 : vector<512x1xf32>
    %sqrt3A_398 = math.sqrt %add3A_397 : vector<512x1xf32>
    %slice3A_399 = vector.extract_strided_slice %dot_general3A_383 {offsets = [0, 3], sizes = [512, 1], strides = [1, 1]} : vector<512x6xf32> to vector<512x1xf32>
    %mul3A_400 = arith.mulf %slice3A_399, %sub3A_386 : vector<512x1xf32>
    %slice3A_401 = vector.extract_strided_slice %dot_general3A_383 {offsets = [0, 4], sizes = [512, 1], strides = [1, 1]} : vector<512x6xf32> to vector<512x1xf32>
    %mul3A_402 = arith.mulf %slice3A_401, %sub3A_389 : vector<512x1xf32>
    %add3A_403 = arith.addf %mul3A_400, %mul3A_402 : vector<512x1xf32>
    %slice3A_404 = vector.extract_strided_slice %dot_general3A_383 {offsets = [0, 5], sizes = [512, 1], strides = [1, 1]} : vector<512x6xf32> to vector<512x1xf32>
    %mul3A_405 = arith.mulf %slice3A_404, %sub3A_392 : vector<512x1xf32>
    %add3A_406 = arith.addf %add3A_403, %mul3A_405 : vector<512x1xf32>
    %gt3A_407 = arith.constant 0.000000e+00 : f32
    %gt3A_408 = vector.broadcast %gt3A_407 : f32 to vector<512x1xf32>
    %gt3A_409 = arith.cmpf ogt, %add3A_406, %gt3A_408 : vector<512x1xf32>
    %lt3A_410 = arith.constant 0.000000e+00 : f32
    %lt3A_411 = vector.broadcast %lt3A_410 : f32 to vector<512x1xf32>
    %lt3A_412 = arith.cmpf olt, %add3A_406, %lt3A_411 : vector<512x1xf32>
    %jit3A_413 = arith.constant -1.000000e+00 : f32
    %jit3A_414 = arith.constant 0.000000e+00 : f32
    %broadcast_in_dim3A_415 = vector.broadcast %jit3A_413 : f32 to vector<512x1xf32>
    %broadcast_in_dim3A_416 = vector.broadcast %jit3A_414 : f32 to vector<512x1xf32>
    %select_n3A_417 = arith.select %lt3A_412, %broadcast_in_dim3A_415, %broadcast_in_dim3A_416 : vector<512x1xi1>, vector<512x1xf32>
    %jit3A_418 = arith.constant 1.000000e+00 : f32
    %broadcast_in_dim3A_419 = vector.broadcast %jit3A_418 : f32 to vector<512x1xf32>
    %select_n3A_420 = arith.select %gt3A_409, %broadcast_in_dim3A_419, %select_n3A_417 : vector<512x1xi1>, vector<512x1xf32>
    %or3A_421 = arith.ori %and3A_373, %iota3A_69 : vector<778x512xi32>
    %reduce_min3A_422 = arith.constant dense<2147483647> : vector<778xi32>
    %reduce_min3A_423 = vector.multi_reduction <minsi>, %or3A_421, %reduce_min3A_422 [1] : vector<778x512xi32> to vector<778xi32>
    %broadcast_in_dim3A_424 = vector.shape_cast %reduce_min3A_423 : vector<778xi32> to vector<778x1xi32>
    %eq3A_425 = vector.broadcast %broadcast_in_dim3A_424 : vector<778x1xi32> to vector<778x512xi32>
    %eq3A_426 = arith.cmpi eq, %or3A_421, %eq3A_425 : vector<778x512xi32>
    %convert_element_type3A_427 = arith.extui %eq3A_426 : vector<778x512xi1> to vector<778x512xi32>
    %convert_element_type3A_428 = arith.sitofp %convert_element_type3A_427 : vector<778x512xi32> to vector<778x512xf32>
    %dot_general3A_429 = arith.constant dense<0.000000e+00> : vector<778x3xf32>
    %dot_general3A_430 = tpu.matmul %convert_element_type3A_428, %get3A_274, %dot_general3A_429 {dimension_numbers = #tpu.dot_dimension_numbers<[1], [0], [0], [1], [0, 0, 1, 1], [], []>, transpose_lhs_hint = false} : vector<778x512xf32>, vector<512x3xf32>, vector<778x3xf32> -> vector<778x3xf32>
    %lt3A_431 = arith.cmpi slt, %broadcast_in_dim3A_424, %select_n3A_233 : vector<778x1xi32>
    %select_n3A_432 = arith.select %lt3A_431, %broadcast_in_dim3A_424, %select_n3A_233 : vector<778x1xi1>, vector<778x1xi32>
    %broadcast_in_dim3A_433 = vector.shape_cast %lt3A_431 : vector<778x1xi1> to vector<778x1xi1>
    %broadcast_in_dim3A_434 = vector.broadcast %broadcast_in_dim3A_433 : vector<778x1xi1> to vector<778x3xi1>
    %select_n3A_435 = arith.select %broadcast_in_dim3A_434, %dot_general3A_430, %select_n3A_236 : vector<778x3xi1>, vector<778x3xf32>
    %mul3A_436 = arith.mulf %sqrt3A_398, %select_n3A_420 : vector<512x1xf32>
    %lt3A_437 = arith.constant 0.00999999977 : f32
    %lt3A_438 = vector.broadcast %lt3A_437 : f32 to vector<512x1xf32>
    %lt3A_439 = arith.cmpf olt, %mul3A_436, %lt3A_438 : vector<512x1xf32>
    %gt3A_440 = arith.constant -5.000000e-03 : f32
    %gt3A_441 = vector.broadcast %gt3A_440 : f32 to vector<512x1xf32>
    %gt3A_442 = arith.cmpf ogt, %mul3A_436, %gt3A_441 : vector<512x1xf32>
    %and3A_443 = arith.andi %lt3A_439, %gt3A_442 : vector<512x1xi1>
    %jit3A_444 = arith.constant 1.000000e+00 : f32
    %jit3A_445 = arith.constant 1.000000e-01 : f32
    %broadcast_in_dim3A_446 = vector.broadcast %jit3A_444 : f32 to vector<512x1xf32>
    %broadcast_in_dim3A_447 = vector.broadcast %jit3A_445 : f32 to vector<512x1xf32>
    %select_n3A_448 = arith.select %and3A_443, %broadcast_in_dim3A_446, %broadcast_in_dim3A_447 : vector<512x1xi1>, vector<512x1xf32>
    %lt3A_449 = arith.constant 0.000000e+00 : f32
    %lt3A_450 = vector.broadcast %lt3A_449 : f32 to vector<512x1xf32>
    %lt3A_451 = arith.cmpf olt, %mul3A_357, %lt3A_450 : vector<512x1xf32>
    %jit3A_452 = arith.constant 1.500000e+00 : f32
    %broadcast_in_dim3A_453 = vector.broadcast %jit3A_452 : f32 to vector<512x1xf32>
    %select_n3A_454 = arith.select %lt3A_451, %broadcast_in_dim3A_453, %select_n3A_448 : vector<512x1xi1>, vector<512x1xf32>
    %sub3A_455 = arith.subf %mul3A_357, %mul3A_436 : vector<512x1xf32>
    %abs3A_456 = math.absf %sub3A_455 : vector<512x1xf32>
    %mul3A_457 = arith.mulf %abs3A_456, %select_n3A_454 : vector<512x1xf32>
    %reduce_sum3A_458 = vector.shape_cast %mul3A_457 : vector<512x1xf32> to vector<1x512x1xf32>
    %reduce_sum3A_459 = arith.constant dense<0.000000e+00> : vector<1xf32>
    %reduce_sum3A_460 = vector.multi_reduction <add>, %reduce_sum3A_458, %reduce_sum3A_459 [1, 2] : vector<1x512x1xf32> to vector<1xf32>
    %reduce_sum3A_461 = vector.shape_cast %reduce_sum3A_460 : vector<1xf32> to vector<1x1x1xf32>
    %reduce_sum3A_462 = vector.extract %reduce_sum3A_461[0, 0, 0] : f32 from vector<1x1x1xf32>
    %add3A_463 = arith.addf %add3A_264, %reduce_sum3A_462 : f32
    %get3A_464 = arith.constant 0 : index
    %get3A_465 = arith.constant 0 : index
    %get3A_466 = arith.constant 1024 : index
    %get3A_467 = vector.load %arg4[%get3A_464, %get3A_465, %get3A_466] : memref<1x3x2048xf32, #tpu.memory_space<vmem>>, vector<1x3x512xf32>
    %get3A_468 = vector.shape_cast %get3A_467 : vector<1x3x512xf32> to vector<3x512xf32>
    %get3A_469 = arith.constant 0 : index
    %get3A_470 = arith.constant 1024 : index
    %get3A_471 = arith.constant 0 : index
    %get3A_472 = vector.load %arg5[%get3A_469, %get3A_470, %get3A_471] : memref<1x2048x3xf32, #tpu.memory_space<vmem>>, vector<1x512x3xf32>
    %get3A_473 = vector.shape_cast %get3A_472 : vector<1x512x3xf32> to vector<512x3xf32>
    %mul3A_474 = arith.mulf %get3A_468, %get3A_468 : vector<3x512xf32>
    %reduce_sum3A_475 = arith.constant dense<0.000000e+00> : vector<512xf32>
    %reduce_sum3A_476 = vector.multi_reduction <add>, %mul3A_474, %reduce_sum3A_475 [0] : vector<3x512xf32> to vector<512xf32>
    %broadcast_in_dim3A_477 = vector.shape_cast %reduce_sum3A_476 : vector<512xf32> to vector<1x512xf32>
    %add3A_478 = vector.broadcast %broadcast_in_dim3A_64 : vector<778x1xf32> to vector<778x512xf32>
    %add3A_479 = vector.broadcast %broadcast_in_dim3A_477 : vector<1x512xf32> to vector<778x512xf32>
    %add3A_480 = arith.addf %add3A_478, %add3A_479 : vector<778x512xf32>
    %dot_general3A_481 = arith.constant dense<0.000000e+00> : vector<778x512xf32>
    %dot_general3A_482 = tpu.matmul %get3A_5, %get3A_468, %dot_general3A_481 {dimension_numbers = #tpu.dot_dimension_numbers<[1], [0], [0], [1], [0, 0, 1, 1], [], []>, transpose_lhs_hint = false} : vector<778x3xf32>, vector<3x512xf32>, vector<778x512xf32> -> vector<778x512xf32>
    %mul3A_483 = arith.constant 2.000000e+00 : f32
    %mul3A_484 = vector.broadcast %mul3A_483 : f32 to vector<778x512xf32>
    %mul3A_485 = arith.mulf %mul3A_484, %dot_general3A_482 : vector<778x512xf32>
    %sub3A_486 = arith.subf %add3A_480, %mul3A_485 : vector<778x512xf32>
    %max3A_487 = arith.constant 0.000000e+00 : f32
    %max3A_488 = vector.broadcast %max3A_487 : f32 to vector<778x512xf32>
    %max3A_489 = arith.maximumf %sub3A_486, %max3A_488 : vector<778x512xf32>
    %bitcast_convert_type3A_490 = tpu.bitcast %max3A_489 : vector<778x512xf32> -> vector<778x512xi32>
    %and3A_491 = arith.constant -1024 : i32
    %and3A_492 = vector.broadcast %and3A_491 : i32 to vector<778x512xi32>
    %and3A_493 = arith.andi %bitcast_convert_type3A_490, %and3A_492 : vector<778x512xi32>
    %or3A_494 = arith.ori %and3A_493, %iota3A : vector<778x512xi32>
    %reduce_min3A_495 = arith.constant dense<2147483647> : vector<512xi32>
    %reduce_min3A_496 = vector.multi_reduction <minsi>, %or3A_494, %reduce_min3A_495 [0] : vector<778x512xi32> to vector<512xi32>
    %broadcast_in_dim3A_497 = vector.shape_cast %reduce_min3A_496 : vector<512xi32> to vector<1x512xi32>
    %eq3A_498 = vector.broadcast %broadcast_in_dim3A_497 : vector<1x512xi32> to vector<778x512xi32>
    %eq3A_499 = arith.cmpi eq, %or3A_494, %eq3A_498 : vector<778x512xi32>
    %convert_element_type3A_500 = arith.extui %eq3A_499 : vector<778x512xi1> to vector<778x512xi32>
    %convert_element_type3A_501 = arith.sitofp %convert_element_type3A_500 : vector<778x512xi32> to vector<778x512xf32>
    %dot_general3A_502 = arith.constant dense<0.000000e+00> : vector<512x6xf32>
    %dot_general3A_503 = tpu.matmul %convert_element_type3A_501, %concatenate3A, %dot_general3A_502 {dimension_numbers = #tpu.dot_dimension_numbers<[0], [0], [1], [1], [0, 1, 1, 1], [], []>, transpose_lhs_hint = false} : vector<778x512xf32>, vector<778x6xf32>, vector<512x6xf32> -> vector<512x6xf32>
    %slice3A_504 = vector.extract_strided_slice %get3A_473 {offsets = [0, 0], sizes = [512, 1], strides = [1, 1]} : vector<512x3xf32> to vector<512x1xf32>
    %slice3A_505 = vector.extract_strided_slice %dot_general3A_503 {offsets = [0, 0], sizes = [512, 1], strides = [1, 1]} : vector<512x6xf32> to vector<512x1xf32>
    %sub3A_506 = arith.subf %slice3A_504, %slice3A_505 : vector<512x1xf32>
    %slice3A_507 = vector.extract_strided_slice %get3A_473 {offsets = [0, 1], sizes = [512, 1], strides = [1, 1]} : vector<512x3xf32> to vector<512x1xf32>
    %slice3A_508 = vector.extract_strided_slice %dot_general3A_503 {offsets = [0, 1], sizes = [512, 1], strides = [1, 1]} : vector<512x6xf32> to vector<512x1xf32>
    %sub3A_509 = arith.subf %slice3A_507, %slice3A_508 : vector<512x1xf32>
    %slice3A_510 = vector.extract_strided_slice %get3A_473 {offsets = [0, 2], sizes = [512, 1], strides = [1, 1]} : vector<512x3xf32> to vector<512x1xf32>
    %slice3A_511 = vector.extract_strided_slice %dot_general3A_503 {offsets = [0, 2], sizes = [512, 1], strides = [1, 1]} : vector<512x6xf32> to vector<512x1xf32>
    %sub3A_512 = arith.subf %slice3A_510, %slice3A_511 : vector<512x1xf32>
    %mul3A_513 = arith.mulf %sub3A_506, %sub3A_506 : vector<512x1xf32>
    %mul3A_514 = arith.mulf %sub3A_509, %sub3A_509 : vector<512x1xf32>
    %add3A_515 = arith.addf %mul3A_513, %mul3A_514 : vector<512x1xf32>
    %mul3A_516 = arith.mulf %sub3A_512, %sub3A_512 : vector<512x1xf32>
    %add3A_517 = arith.addf %add3A_515, %mul3A_516 : vector<512x1xf32>
    %sqrt3A_518 = math.sqrt %add3A_517 : vector<512x1xf32>
    %slice3A_519 = vector.extract_strided_slice %dot_general3A_503 {offsets = [0, 3], sizes = [512, 1], strides = [1, 1]} : vector<512x6xf32> to vector<512x1xf32>
    %mul3A_520 = arith.mulf %slice3A_519, %sub3A_506 : vector<512x1xf32>
    %slice3A_521 = vector.extract_strided_slice %dot_general3A_503 {offsets = [0, 4], sizes = [512, 1], strides = [1, 1]} : vector<512x6xf32> to vector<512x1xf32>
    %mul3A_522 = arith.mulf %slice3A_521, %sub3A_509 : vector<512x1xf32>
    %add3A_523 = arith.addf %mul3A_520, %mul3A_522 : vector<512x1xf32>
    %slice3A_524 = vector.extract_strided_slice %dot_general3A_503 {offsets = [0, 5], sizes = [512, 1], strides = [1, 1]} : vector<512x6xf32> to vector<512x1xf32>
    %mul3A_525 = arith.mulf %slice3A_524, %sub3A_512 : vector<512x1xf32>
    %add3A_526 = arith.addf %add3A_523, %mul3A_525 : vector<512x1xf32>
    %gt3A_527 = arith.constant 0.000000e+00 : f32
    %gt3A_528 = vector.broadcast %gt3A_527 : f32 to vector<512x1xf32>
    %gt3A_529 = arith.cmpf ogt, %add3A_526, %gt3A_528 : vector<512x1xf32>
    %lt3A_530 = arith.constant 0.000000e+00 : f32
    %lt3A_531 = vector.broadcast %lt3A_530 : f32 to vector<512x1xf32>
    %lt3A_532 = arith.cmpf olt, %add3A_526, %lt3A_531 : vector<512x1xf32>
    %jit3A_533 = arith.constant -1.000000e+00 : f32
    %jit3A_534 = arith.constant 0.000000e+00 : f32
    %broadcast_in_dim3A_535 = vector.broadcast %jit3A_533 : f32 to vector<512x1xf32>
    %broadcast_in_dim3A_536 = vector.broadcast %jit3A_534 : f32 to vector<512x1xf32>
    %select_n3A_537 = arith.select %lt3A_532, %broadcast_in_dim3A_535, %broadcast_in_dim3A_536 : vector<512x1xi1>, vector<512x1xf32>
    %jit3A_538 = arith.constant 1.000000e+00 : f32
    %broadcast_in_dim3A_539 = vector.broadcast %jit3A_538 : f32 to vector<512x1xf32>
    %select_n3A_540 = arith.select %gt3A_529, %broadcast_in_dim3A_539, %select_n3A_537 : vector<512x1xi1>, vector<512x1xf32>
    %or3A_541 = arith.ori %and3A_493, %iota3A_69 : vector<778x512xi32>
    %reduce_min3A_542 = arith.constant dense<2147483647> : vector<778xi32>
    %reduce_min3A_543 = vector.multi_reduction <minsi>, %or3A_541, %reduce_min3A_542 [1] : vector<778x512xi32> to vector<778xi32>
    %broadcast_in_dim3A_544 = vector.shape_cast %reduce_min3A_543 : vector<778xi32> to vector<778x1xi32>
    %eq3A_545 = vector.broadcast %broadcast_in_dim3A_544 : vector<778x1xi32> to vector<778x512xi32>
    %eq3A_546 = arith.cmpi eq, %or3A_541, %eq3A_545 : vector<778x512xi32>
    %convert_element_type3A_547 = arith.extui %eq3A_546 : vector<778x512xi1> to vector<778x512xi32>
    %convert_element_type3A_548 = arith.sitofp %convert_element_type3A_547 : vector<778x512xi32> to vector<778x512xf32>
    %dot_general3A_549 = arith.constant dense<0.000000e+00> : vector<778x3xf32>
    %dot_general3A_550 = tpu.matmul %convert_element_type3A_548, %get3A_473, %dot_general3A_549 {dimension_numbers = #tpu.dot_dimension_numbers<[1], [0], [0], [1], [0, 0, 1, 1], [], []>, transpose_lhs_hint = false} : vector<778x512xf32>, vector<512x3xf32>, vector<778x3xf32> -> vector<778x3xf32>
    %lt3A_551 = arith.cmpi slt, %broadcast_in_dim3A_544, %select_n3A_353 : vector<778x1xi32>
    %select_n3A_552 = arith.select %lt3A_551, %broadcast_in_dim3A_544, %select_n3A_353 : vector<778x1xi1>, vector<778x1xi32>
    %broadcast_in_dim3A_553 = vector.shape_cast %lt3A_551 : vector<778x1xi1> to vector<778x1xi1>
    %broadcast_in_dim3A_554 = vector.broadcast %broadcast_in_dim3A_553 : vector<778x1xi1> to vector<778x3xi1>
    %select_n3A_555 = arith.select %broadcast_in_dim3A_554, %dot_general3A_550, %select_n3A_356 : vector<778x3xi1>, vector<778x3xf32>
    %mul3A_556 = arith.mulf %sqrt3A_518, %select_n3A_540 : vector<512x1xf32>
    %add3A_557 = vector.broadcast %broadcast_in_dim3A_68 : vector<778x1xf32> to vector<778x512xf32>
    %add3A_558 = vector.broadcast %broadcast_in_dim3A_477 : vector<1x512xf32> to vector<778x512xf32>
    %add3A_559 = arith.addf %add3A_557, %add3A_558 : vector<778x512xf32>
    %dot_general3A_560 = arith.constant dense<0.000000e+00> : vector<778x512xf32>
    %dot_general3A_561 = tpu.matmul %get3A_10, %get3A_468, %dot_general3A_560 {dimension_numbers = #tpu.dot_dimension_numbers<[1], [0], [0], [1], [0, 0, 1, 1], [], []>, transpose_lhs_hint = false} : vector<778x3xf32>, vector<3x512xf32>, vector<778x512xf32> -> vector<778x512xf32>
    %mul3A_562 = arith.constant 2.000000e+00 : f32
    %mul3A_563 = vector.broadcast %mul3A_562 : f32 to vector<778x512xf32>
    %mul3A_564 = arith.mulf %mul3A_563, %dot_general3A_561 : vector<778x512xf32>
    %sub3A_565 = arith.subf %add3A_559, %mul3A_564 : vector<778x512xf32>
    %max3A_566 = arith.constant 0.000000e+00 : f32
    %max3A_567 = vector.broadcast %max3A_566 : f32 to vector<778x512xf32>
    %max3A_568 = arith.maximumf %sub3A_565, %max3A_567 : vector<778x512xf32>
    %bitcast_convert_type3A_569 = tpu.bitcast %max3A_568 : vector<778x512xf32> -> vector<778x512xi32>
    %and3A_570 = arith.constant -1024 : i32
    %and3A_571 = vector.broadcast %and3A_570 : i32 to vector<778x512xi32>
    %and3A_572 = arith.andi %bitcast_convert_type3A_569, %and3A_571 : vector<778x512xi32>
    %or3A_573 = arith.ori %and3A_572, %iota3A : vector<778x512xi32>
    %reduce_min3A_574 = arith.constant dense<2147483647> : vector<512xi32>
    %reduce_min3A_575 = vector.multi_reduction <minsi>, %or3A_573, %reduce_min3A_574 [0] : vector<778x512xi32> to vector<512xi32>
    %broadcast_in_dim3A_576 = vector.shape_cast %reduce_min3A_575 : vector<512xi32> to vector<1x512xi32>
    %eq3A_577 = vector.broadcast %broadcast_in_dim3A_576 : vector<1x512xi32> to vector<778x512xi32>
    %eq3A_578 = arith.cmpi eq, %or3A_573, %eq3A_577 : vector<778x512xi32>
    %convert_element_type3A_579 = arith.extui %eq3A_578 : vector<778x512xi1> to vector<778x512xi32>
    %convert_element_type3A_580 = arith.sitofp %convert_element_type3A_579 : vector<778x512xi32> to vector<778x512xf32>
    %dot_general3A_581 = arith.constant dense<0.000000e+00> : vector<512x6xf32>
    %dot_general3A_582 = tpu.matmul %convert_element_type3A_580, %concatenate3A_60, %dot_general3A_581 {dimension_numbers = #tpu.dot_dimension_numbers<[0], [0], [1], [1], [0, 1, 1, 1], [], []>, transpose_lhs_hint = false} : vector<778x512xf32>, vector<778x6xf32>, vector<512x6xf32> -> vector<512x6xf32>
    %slice3A_583 = vector.extract_strided_slice %get3A_473 {offsets = [0, 0], sizes = [512, 1], strides = [1, 1]} : vector<512x3xf32> to vector<512x1xf32>
    %slice3A_584 = vector.extract_strided_slice %dot_general3A_582 {offsets = [0, 0], sizes = [512, 1], strides = [1, 1]} : vector<512x6xf32> to vector<512x1xf32>
    %sub3A_585 = arith.subf %slice3A_583, %slice3A_584 : vector<512x1xf32>
    %slice3A_586 = vector.extract_strided_slice %get3A_473 {offsets = [0, 1], sizes = [512, 1], strides = [1, 1]} : vector<512x3xf32> to vector<512x1xf32>
    %slice3A_587 = vector.extract_strided_slice %dot_general3A_582 {offsets = [0, 1], sizes = [512, 1], strides = [1, 1]} : vector<512x6xf32> to vector<512x1xf32>
    %sub3A_588 = arith.subf %slice3A_586, %slice3A_587 : vector<512x1xf32>
    %slice3A_589 = vector.extract_strided_slice %get3A_473 {offsets = [0, 2], sizes = [512, 1], strides = [1, 1]} : vector<512x3xf32> to vector<512x1xf32>
    %slice3A_590 = vector.extract_strided_slice %dot_general3A_582 {offsets = [0, 2], sizes = [512, 1], strides = [1, 1]} : vector<512x6xf32> to vector<512x1xf32>
    %sub3A_591 = arith.subf %slice3A_589, %slice3A_590 : vector<512x1xf32>
    %mul3A_592 = arith.mulf %sub3A_585, %sub3A_585 : vector<512x1xf32>
    %mul3A_593 = arith.mulf %sub3A_588, %sub3A_588 : vector<512x1xf32>
    %add3A_594 = arith.addf %mul3A_592, %mul3A_593 : vector<512x1xf32>
    %mul3A_595 = arith.mulf %sub3A_591, %sub3A_591 : vector<512x1xf32>
    %add3A_596 = arith.addf %add3A_594, %mul3A_595 : vector<512x1xf32>
    %sqrt3A_597 = math.sqrt %add3A_596 : vector<512x1xf32>
    %slice3A_598 = vector.extract_strided_slice %dot_general3A_582 {offsets = [0, 3], sizes = [512, 1], strides = [1, 1]} : vector<512x6xf32> to vector<512x1xf32>
    %mul3A_599 = arith.mulf %slice3A_598, %sub3A_585 : vector<512x1xf32>
    %slice3A_600 = vector.extract_strided_slice %dot_general3A_582 {offsets = [0, 4], sizes = [512, 1], strides = [1, 1]} : vector<512x6xf32> to vector<512x1xf32>
    %mul3A_601 = arith.mulf %slice3A_600, %sub3A_588 : vector<512x1xf32>
    %add3A_602 = arith.addf %mul3A_599, %mul3A_601 : vector<512x1xf32>
    %slice3A_603 = vector.extract_strided_slice %dot_general3A_582 {offsets = [0, 5], sizes = [512, 1], strides = [1, 1]} : vector<512x6xf32> to vector<512x1xf32>
    %mul3A_604 = arith.mulf %slice3A_603, %sub3A_591 : vector<512x1xf32>
    %add3A_605 = arith.addf %add3A_602, %mul3A_604 : vector<512x1xf32>
    %gt3A_606 = arith.constant 0.000000e+00 : f32
    %gt3A_607 = vector.broadcast %gt3A_606 : f32 to vector<512x1xf32>
    %gt3A_608 = arith.cmpf ogt, %add3A_605, %gt3A_607 : vector<512x1xf32>
    %lt3A_609 = arith.constant 0.000000e+00 : f32
    %lt3A_610 = vector.broadcast %lt3A_609 : f32 to vector<512x1xf32>
    %lt3A_611 = arith.cmpf olt, %add3A_605, %lt3A_610 : vector<512x1xf32>
    %jit3A_612 = arith.constant -1.000000e+00 : f32
    %jit3A_613 = arith.constant 0.000000e+00 : f32
    %broadcast_in_dim3A_614 = vector.broadcast %jit3A_612 : f32 to vector<512x1xf32>
    %broadcast_in_dim3A_615 = vector.broadcast %jit3A_613 : f32 to vector<512x1xf32>
    %select_n3A_616 = arith.select %lt3A_611, %broadcast_in_dim3A_614, %broadcast_in_dim3A_615 : vector<512x1xi1>, vector<512x1xf32>
    %jit3A_617 = arith.constant 1.000000e+00 : f32
    %broadcast_in_dim3A_618 = vector.broadcast %jit3A_617 : f32 to vector<512x1xf32>
    %select_n3A_619 = arith.select %gt3A_608, %broadcast_in_dim3A_618, %select_n3A_616 : vector<512x1xi1>, vector<512x1xf32>
    %or3A_620 = arith.ori %and3A_572, %iota3A_69 : vector<778x512xi32>
    %reduce_min3A_621 = arith.constant dense<2147483647> : vector<778xi32>
    %reduce_min3A_622 = vector.multi_reduction <minsi>, %or3A_620, %reduce_min3A_621 [1] : vector<778x512xi32> to vector<778xi32>
    %broadcast_in_dim3A_623 = vector.shape_cast %reduce_min3A_622 : vector<778xi32> to vector<778x1xi32>
    %eq3A_624 = vector.broadcast %broadcast_in_dim3A_623 : vector<778x1xi32> to vector<778x512xi32>
    %eq3A_625 = arith.cmpi eq, %or3A_620, %eq3A_624 : vector<778x512xi32>
    %convert_element_type3A_626 = arith.extui %eq3A_625 : vector<778x512xi1> to vector<778x512xi32>
    %convert_element_type3A_627 = arith.sitofp %convert_element_type3A_626 : vector<778x512xi32> to vector<778x512xf32>
    %dot_general3A_628 = arith.constant dense<0.000000e+00> : vector<778x3xf32>
    %dot_general3A_629 = tpu.matmul %convert_element_type3A_627, %get3A_473, %dot_general3A_628 {dimension_numbers = #tpu.dot_dimension_numbers<[1], [0], [0], [1], [0, 0, 1, 1], [], []>, transpose_lhs_hint = false} : vector<778x512xf32>, vector<512x3xf32>, vector<778x3xf32> -> vector<778x3xf32>
    %lt3A_630 = arith.cmpi slt, %broadcast_in_dim3A_623, %select_n3A_432 : vector<778x1xi32>
    %select_n3A_631 = arith.select %lt3A_630, %broadcast_in_dim3A_623, %select_n3A_432 : vector<778x1xi1>, vector<778x1xi32>
    %broadcast_in_dim3A_632 = vector.shape_cast %lt3A_630 : vector<778x1xi1> to vector<778x1xi1>
    %broadcast_in_dim3A_633 = vector.broadcast %broadcast_in_dim3A_632 : vector<778x1xi1> to vector<778x3xi1>
    %select_n3A_634 = arith.select %broadcast_in_dim3A_633, %dot_general3A_629, %select_n3A_435 : vector<778x3xi1>, vector<778x3xf32>
    %mul3A_635 = arith.mulf %sqrt3A_597, %select_n3A_619 : vector<512x1xf32>
    %lt3A_636 = arith.constant 0.00999999977 : f32
    %lt3A_637 = vector.broadcast %lt3A_636 : f32 to vector<512x1xf32>
    %lt3A_638 = arith.cmpf olt, %mul3A_635, %lt3A_637 : vector<512x1xf32>
    %gt3A_639 = arith.constant -5.000000e-03 : f32
    %gt3A_640 = vector.broadcast %gt3A_639 : f32 to vector<512x1xf32>
    %gt3A_641 = arith.cmpf ogt, %mul3A_635, %gt3A_640 : vector<512x1xf32>
    %and3A_642 = arith.andi %lt3A_638, %gt3A_641 : vector<512x1xi1>
    %jit3A_643 = arith.constant 1.000000e+00 : f32
    %jit3A_644 = arith.constant 1.000000e-01 : f32
    %broadcast_in_dim3A_645 = vector.broadcast %jit3A_643 : f32 to vector<512x1xf32>
    %broadcast_in_dim3A_646 = vector.broadcast %jit3A_644 : f32 to vector<512x1xf32>
    %select_n3A_647 = arith.select %and3A_642, %broadcast_in_dim3A_645, %broadcast_in_dim3A_646 : vector<512x1xi1>, vector<512x1xf32>
    %lt3A_648 = arith.constant 0.000000e+00 : f32
    %lt3A_649 = vector.broadcast %lt3A_648 : f32 to vector<512x1xf32>
    %lt3A_650 = arith.cmpf olt, %mul3A_556, %lt3A_649 : vector<512x1xf32>
    %jit3A_651 = arith.constant 1.500000e+00 : f32
    %broadcast_in_dim3A_652 = vector.broadcast %jit3A_651 : f32 to vector<512x1xf32>
    %select_n3A_653 = arith.select %lt3A_650, %broadcast_in_dim3A_652, %select_n3A_647 : vector<512x1xi1>, vector<512x1xf32>
    %sub3A_654 = arith.subf %mul3A_556, %mul3A_635 : vector<512x1xf32>
    %abs3A_655 = math.absf %sub3A_654 : vector<512x1xf32>
    %mul3A_656 = arith.mulf %abs3A_655, %select_n3A_653 : vector<512x1xf32>
    %reduce_sum3A_657 = vector.shape_cast %mul3A_656 : vector<512x1xf32> to vector<1x512x1xf32>
    %reduce_sum3A_658 = arith.constant dense<0.000000e+00> : vector<1xf32>
    %reduce_sum3A_659 = vector.multi_reduction <add>, %reduce_sum3A_657, %reduce_sum3A_658 [1, 2] : vector<1x512x1xf32> to vector<1xf32>
    %reduce_sum3A_660 = vector.shape_cast %reduce_sum3A_659 : vector<1xf32> to vector<1x1x1xf32>
    %reduce_sum3A_661 = vector.extract %reduce_sum3A_660[0, 0, 0] : f32 from vector<1x1x1xf32>
    %add3A_662 = arith.addf %add3A_463, %reduce_sum3A_661 : f32
    %get3A_663 = arith.constant 0 : index
    %get3A_664 = arith.constant 0 : index
    %get3A_665 = arith.constant 1536 : index
    %get3A_666 = vector.load %arg4[%get3A_663, %get3A_664, %get3A_665] : memref<1x3x2048xf32, #tpu.memory_space<vmem>>, vector<1x3x512xf32>
    %get3A_667 = vector.shape_cast %get3A_666 : vector<1x3x512xf32> to vector<3x512xf32>
    %get3A_668 = arith.constant 0 : index
    %get3A_669 = arith.constant 1536 : index
    %get3A_670 = arith.constant 0 : index
    %get3A_671 = vector.load %arg5[%get3A_668, %get3A_669, %get3A_670] : memref<1x2048x3xf32, #tpu.memory_space<vmem>>, vector<1x512x3xf32>
    %get3A_672 = vector.shape_cast %get3A_671 : vector<1x512x3xf32> to vector<512x3xf32>
    %mul3A_673 = arith.mulf %get3A_667, %get3A_667 : vector<3x512xf32>
    %reduce_sum3A_674 = arith.constant dense<0.000000e+00> : vector<512xf32>
    %reduce_sum3A_675 = vector.multi_reduction <add>, %mul3A_673, %reduce_sum3A_674 [0] : vector<3x512xf32> to vector<512xf32>
    %broadcast_in_dim3A_676 = vector.shape_cast %reduce_sum3A_675 : vector<512xf32> to vector<1x512xf32>
    %add3A_677 = vector.broadcast %broadcast_in_dim3A_64 : vector<778x1xf32> to vector<778x512xf32>
    %add3A_678 = vector.broadcast %broadcast_in_dim3A_676 : vector<1x512xf32> to vector<778x512xf32>
    %add3A_679 = arith.addf %add3A_677, %add3A_678 : vector<778x512xf32>
    %dot_general3A_680 = arith.constant dense<0.000000e+00> : vector<778x512xf32>
    %dot_general3A_681 = tpu.matmul %get3A_5, %get3A_667, %dot_general3A_680 {dimension_numbers = #tpu.dot_dimension_numbers<[1], [0], [0], [1], [0, 0, 1, 1], [], []>, transpose_lhs_hint = false} : vector<778x3xf32>, vector<3x512xf32>, vector<778x512xf32> -> vector<778x512xf32>
    %mul3A_682 = arith.constant 2.000000e+00 : f32
    %mul3A_683 = vector.broadcast %mul3A_682 : f32 to vector<778x512xf32>
    %mul3A_684 = arith.mulf %mul3A_683, %dot_general3A_681 : vector<778x512xf32>
    %sub3A_685 = arith.subf %add3A_679, %mul3A_684 : vector<778x512xf32>
    %max3A_686 = arith.constant 0.000000e+00 : f32
    %max3A_687 = vector.broadcast %max3A_686 : f32 to vector<778x512xf32>
    %max3A_688 = arith.maximumf %sub3A_685, %max3A_687 : vector<778x512xf32>
    %bitcast_convert_type3A_689 = tpu.bitcast %max3A_688 : vector<778x512xf32> -> vector<778x512xi32>
    %and3A_690 = arith.constant -1024 : i32
    %and3A_691 = vector.broadcast %and3A_690 : i32 to vector<778x512xi32>
    %and3A_692 = arith.andi %bitcast_convert_type3A_689, %and3A_691 : vector<778x512xi32>
    %or3A_693 = arith.ori %and3A_692, %iota3A : vector<778x512xi32>
    %reduce_min3A_694 = arith.constant dense<2147483647> : vector<512xi32>
    %reduce_min3A_695 = vector.multi_reduction <minsi>, %or3A_693, %reduce_min3A_694 [0] : vector<778x512xi32> to vector<512xi32>
    %broadcast_in_dim3A_696 = vector.shape_cast %reduce_min3A_695 : vector<512xi32> to vector<1x512xi32>
    %eq3A_697 = vector.broadcast %broadcast_in_dim3A_696 : vector<1x512xi32> to vector<778x512xi32>
    %eq3A_698 = arith.cmpi eq, %or3A_693, %eq3A_697 : vector<778x512xi32>
    %convert_element_type3A_699 = arith.extui %eq3A_698 : vector<778x512xi1> to vector<778x512xi32>
    %convert_element_type3A_700 = arith.sitofp %convert_element_type3A_699 : vector<778x512xi32> to vector<778x512xf32>
    %dot_general3A_701 = arith.constant dense<0.000000e+00> : vector<512x6xf32>
    %dot_general3A_702 = tpu.matmul %convert_element_type3A_700, %concatenate3A, %dot_general3A_701 {dimension_numbers = #tpu.dot_dimension_numbers<[0], [0], [1], [1], [0, 1, 1, 1], [], []>, transpose_lhs_hint = false} : vector<778x512xf32>, vector<778x6xf32>, vector<512x6xf32> -> vector<512x6xf32>
    %slice3A_703 = vector.extract_strided_slice %get3A_672 {offsets = [0, 0], sizes = [512, 1], strides = [1, 1]} : vector<512x3xf32> to vector<512x1xf32>
    %slice3A_704 = vector.extract_strided_slice %dot_general3A_702 {offsets = [0, 0], sizes = [512, 1], strides = [1, 1]} : vector<512x6xf32> to vector<512x1xf32>
    %sub3A_705 = arith.subf %slice3A_703, %slice3A_704 : vector<512x1xf32>
    %slice3A_706 = vector.extract_strided_slice %get3A_672 {offsets = [0, 1], sizes = [512, 1], strides = [1, 1]} : vector<512x3xf32> to vector<512x1xf32>
    %slice3A_707 = vector.extract_strided_slice %dot_general3A_702 {offsets = [0, 1], sizes = [512, 1], strides = [1, 1]} : vector<512x6xf32> to vector<512x1xf32>
    %sub3A_708 = arith.subf %slice3A_706, %slice3A_707 : vector<512x1xf32>
    %slice3A_709 = vector.extract_strided_slice %get3A_672 {offsets = [0, 2], sizes = [512, 1], strides = [1, 1]} : vector<512x3xf32> to vector<512x1xf32>
    %slice3A_710 = vector.extract_strided_slice %dot_general3A_702 {offsets = [0, 2], sizes = [512, 1], strides = [1, 1]} : vector<512x6xf32> to vector<512x1xf32>
    %sub3A_711 = arith.subf %slice3A_709, %slice3A_710 : vector<512x1xf32>
    %mul3A_712 = arith.mulf %sub3A_705, %sub3A_705 : vector<512x1xf32>
    %mul3A_713 = arith.mulf %sub3A_708, %sub3A_708 : vector<512x1xf32>
    %add3A_714 = arith.addf %mul3A_712, %mul3A_713 : vector<512x1xf32>
    %mul3A_715 = arith.mulf %sub3A_711, %sub3A_711 : vector<512x1xf32>
    %add3A_716 = arith.addf %add3A_714, %mul3A_715 : vector<512x1xf32>
    %sqrt3A_717 = math.sqrt %add3A_716 : vector<512x1xf32>
    %slice3A_718 = vector.extract_strided_slice %dot_general3A_702 {offsets = [0, 3], sizes = [512, 1], strides = [1, 1]} : vector<512x6xf32> to vector<512x1xf32>
    %mul3A_719 = arith.mulf %slice3A_718, %sub3A_705 : vector<512x1xf32>
    %slice3A_720 = vector.extract_strided_slice %dot_general3A_702 {offsets = [0, 4], sizes = [512, 1], strides = [1, 1]} : vector<512x6xf32> to vector<512x1xf32>
    %mul3A_721 = arith.mulf %slice3A_720, %sub3A_708 : vector<512x1xf32>
    %add3A_722 = arith.addf %mul3A_719, %mul3A_721 : vector<512x1xf32>
    %slice3A_723 = vector.extract_strided_slice %dot_general3A_702 {offsets = [0, 5], sizes = [512, 1], strides = [1, 1]} : vector<512x6xf32> to vector<512x1xf32>
    %mul3A_724 = arith.mulf %slice3A_723, %sub3A_711 : vector<512x1xf32>
    %add3A_725 = arith.addf %add3A_722, %mul3A_724 : vector<512x1xf32>
    %gt3A_726 = arith.constant 0.000000e+00 : f32
    %gt3A_727 = vector.broadcast %gt3A_726 : f32 to vector<512x1xf32>
    %gt3A_728 = arith.cmpf ogt, %add3A_725, %gt3A_727 : vector<512x1xf32>
    %lt3A_729 = arith.constant 0.000000e+00 : f32
    %lt3A_730 = vector.broadcast %lt3A_729 : f32 to vector<512x1xf32>
    %lt3A_731 = arith.cmpf olt, %add3A_725, %lt3A_730 : vector<512x1xf32>
    %jit3A_732 = arith.constant -1.000000e+00 : f32
    %jit3A_733 = arith.constant 0.000000e+00 : f32
    %broadcast_in_dim3A_734 = vector.broadcast %jit3A_732 : f32 to vector<512x1xf32>
    %broadcast_in_dim3A_735 = vector.broadcast %jit3A_733 : f32 to vector<512x1xf32>
    %select_n3A_736 = arith.select %lt3A_731, %broadcast_in_dim3A_734, %broadcast_in_dim3A_735 : vector<512x1xi1>, vector<512x1xf32>
    %jit3A_737 = arith.constant 1.000000e+00 : f32
    %broadcast_in_dim3A_738 = vector.broadcast %jit3A_737 : f32 to vector<512x1xf32>
    %select_n3A_739 = arith.select %gt3A_728, %broadcast_in_dim3A_738, %select_n3A_736 : vector<512x1xi1>, vector<512x1xf32>
    %or3A_740 = arith.ori %and3A_692, %iota3A_69 : vector<778x512xi32>
    %reduce_min3A_741 = arith.constant dense<2147483647> : vector<778xi32>
    %reduce_min3A_742 = vector.multi_reduction <minsi>, %or3A_740, %reduce_min3A_741 [1] : vector<778x512xi32> to vector<778xi32>
    %broadcast_in_dim3A_743 = vector.shape_cast %reduce_min3A_742 : vector<778xi32> to vector<778x1xi32>
    %eq3A_744 = vector.broadcast %broadcast_in_dim3A_743 : vector<778x1xi32> to vector<778x512xi32>
    %eq3A_745 = arith.cmpi eq, %or3A_740, %eq3A_744 : vector<778x512xi32>
    %convert_element_type3A_746 = arith.extui %eq3A_745 : vector<778x512xi1> to vector<778x512xi32>
    %convert_element_type3A_747 = arith.sitofp %convert_element_type3A_746 : vector<778x512xi32> to vector<778x512xf32>
    %dot_general3A_748 = arith.constant dense<0.000000e+00> : vector<778x3xf32>
    %dot_general3A_749 = tpu.matmul %convert_element_type3A_747, %get3A_672, %dot_general3A_748 {dimension_numbers = #tpu.dot_dimension_numbers<[1], [0], [0], [1], [0, 0, 1, 1], [], []>, transpose_lhs_hint = false} : vector<778x512xf32>, vector<512x3xf32>, vector<778x3xf32> -> vector<778x3xf32>
    %lt3A_750 = arith.cmpi slt, %broadcast_in_dim3A_743, %select_n3A_552 : vector<778x1xi32>
    %broadcast_in_dim3A_751 = vector.shape_cast %lt3A_750 : vector<778x1xi1> to vector<778x1xi1>
    %broadcast_in_dim3A_752 = vector.broadcast %broadcast_in_dim3A_751 : vector<778x1xi1> to vector<778x3xi1>
    %select_n3A_753 = arith.select %broadcast_in_dim3A_752, %dot_general3A_749, %select_n3A_555 : vector<778x3xi1>, vector<778x3xf32>
    %mul3A_754 = arith.mulf %sqrt3A_717, %select_n3A_739 : vector<512x1xf32>
    %add3A_755 = vector.broadcast %broadcast_in_dim3A_68 : vector<778x1xf32> to vector<778x512xf32>
    %add3A_756 = vector.broadcast %broadcast_in_dim3A_676 : vector<1x512xf32> to vector<778x512xf32>
    %add3A_757 = arith.addf %add3A_755, %add3A_756 : vector<778x512xf32>
    %dot_general3A_758 = arith.constant dense<0.000000e+00> : vector<778x512xf32>
    %dot_general3A_759 = tpu.matmul %get3A_10, %get3A_667, %dot_general3A_758 {dimension_numbers = #tpu.dot_dimension_numbers<[1], [0], [0], [1], [0, 0, 1, 1], [], []>, transpose_lhs_hint = false} : vector<778x3xf32>, vector<3x512xf32>, vector<778x512xf32> -> vector<778x512xf32>
    %mul3A_760 = arith.constant 2.000000e+00 : f32
    %mul3A_761 = vector.broadcast %mul3A_760 : f32 to vector<778x512xf32>
    %mul3A_762 = arith.mulf %mul3A_761, %dot_general3A_759 : vector<778x512xf32>
    %sub3A_763 = arith.subf %add3A_757, %mul3A_762 : vector<778x512xf32>
    %max3A_764 = arith.constant 0.000000e+00 : f32
    %max3A_765 = vector.broadcast %max3A_764 : f32 to vector<778x512xf32>
    %max3A_766 = arith.maximumf %sub3A_763, %max3A_765 : vector<778x512xf32>
    %bitcast_convert_type3A_767 = tpu.bitcast %max3A_766 : vector<778x512xf32> -> vector<778x512xi32>
    %and3A_768 = arith.constant -1024 : i32
    %and3A_769 = vector.broadcast %and3A_768 : i32 to vector<778x512xi32>
    %and3A_770 = arith.andi %bitcast_convert_type3A_767, %and3A_769 : vector<778x512xi32>
    %or3A_771 = arith.ori %and3A_770, %iota3A : vector<778x512xi32>
    %reduce_min3A_772 = arith.constant dense<2147483647> : vector<512xi32>
    %reduce_min3A_773 = vector.multi_reduction <minsi>, %or3A_771, %reduce_min3A_772 [0] : vector<778x512xi32> to vector<512xi32>
    %broadcast_in_dim3A_774 = vector.shape_cast %reduce_min3A_773 : vector<512xi32> to vector<1x512xi32>
    %eq3A_775 = vector.broadcast %broadcast_in_dim3A_774 : vector<1x512xi32> to vector<778x512xi32>
    %eq3A_776 = arith.cmpi eq, %or3A_771, %eq3A_775 : vector<778x512xi32>
    %convert_element_type3A_777 = arith.extui %eq3A_776 : vector<778x512xi1> to vector<778x512xi32>
    %convert_element_type3A_778 = arith.sitofp %convert_element_type3A_777 : vector<778x512xi32> to vector<778x512xf32>
    %dot_general3A_779 = arith.constant dense<0.000000e+00> : vector<512x6xf32>
    %dot_general3A_780 = tpu.matmul %convert_element_type3A_778, %concatenate3A_60, %dot_general3A_779 {dimension_numbers = #tpu.dot_dimension_numbers<[0], [0], [1], [1], [0, 1, 1, 1], [], []>, transpose_lhs_hint = false} : vector<778x512xf32>, vector<778x6xf32>, vector<512x6xf32> -> vector<512x6xf32>
    %slice3A_781 = vector.extract_strided_slice %get3A_672 {offsets = [0, 0], sizes = [512, 1], strides = [1, 1]} : vector<512x3xf32> to vector<512x1xf32>
    %slice3A_782 = vector.extract_strided_slice %dot_general3A_780 {offsets = [0, 0], sizes = [512, 1], strides = [1, 1]} : vector<512x6xf32> to vector<512x1xf32>
    %sub3A_783 = arith.subf %slice3A_781, %slice3A_782 : vector<512x1xf32>
    %slice3A_784 = vector.extract_strided_slice %get3A_672 {offsets = [0, 1], sizes = [512, 1], strides = [1, 1]} : vector<512x3xf32> to vector<512x1xf32>
    %slice3A_785 = vector.extract_strided_slice %dot_general3A_780 {offsets = [0, 1], sizes = [512, 1], strides = [1, 1]} : vector<512x6xf32> to vector<512x1xf32>
    %sub3A_786 = arith.subf %slice3A_784, %slice3A_785 : vector<512x1xf32>
    %slice3A_787 = vector.extract_strided_slice %get3A_672 {offsets = [0, 2], sizes = [512, 1], strides = [1, 1]} : vector<512x3xf32> to vector<512x1xf32>
    %slice3A_788 = vector.extract_strided_slice %dot_general3A_780 {offsets = [0, 2], sizes = [512, 1], strides = [1, 1]} : vector<512x6xf32> to vector<512x1xf32>
    %sub3A_789 = arith.subf %slice3A_787, %slice3A_788 : vector<512x1xf32>
    %mul3A_790 = arith.mulf %sub3A_783, %sub3A_783 : vector<512x1xf32>
    %mul3A_791 = arith.mulf %sub3A_786, %sub3A_786 : vector<512x1xf32>
    %add3A_792 = arith.addf %mul3A_790, %mul3A_791 : vector<512x1xf32>
    %mul3A_793 = arith.mulf %sub3A_789, %sub3A_789 : vector<512x1xf32>
    %add3A_794 = arith.addf %add3A_792, %mul3A_793 : vector<512x1xf32>
    %sqrt3A_795 = math.sqrt %add3A_794 : vector<512x1xf32>
    %slice3A_796 = vector.extract_strided_slice %dot_general3A_780 {offsets = [0, 3], sizes = [512, 1], strides = [1, 1]} : vector<512x6xf32> to vector<512x1xf32>
    %mul3A_797 = arith.mulf %slice3A_796, %sub3A_783 : vector<512x1xf32>
    %slice3A_798 = vector.extract_strided_slice %dot_general3A_780 {offsets = [0, 4], sizes = [512, 1], strides = [1, 1]} : vector<512x6xf32> to vector<512x1xf32>
    %mul3A_799 = arith.mulf %slice3A_798, %sub3A_786 : vector<512x1xf32>
    %add3A_800 = arith.addf %mul3A_797, %mul3A_799 : vector<512x1xf32>
    %slice3A_801 = vector.extract_strided_slice %dot_general3A_780 {offsets = [0, 5], sizes = [512, 1], strides = [1, 1]} : vector<512x6xf32> to vector<512x1xf32>
    %mul3A_802 = arith.mulf %slice3A_801, %sub3A_789 : vector<512x1xf32>
    %add3A_803 = arith.addf %add3A_800, %mul3A_802 : vector<512x1xf32>
    %gt3A_804 = arith.constant 0.000000e+00 : f32
    %gt3A_805 = vector.broadcast %gt3A_804 : f32 to vector<512x1xf32>
    %gt3A_806 = arith.cmpf ogt, %add3A_803, %gt3A_805 : vector<512x1xf32>
    %lt3A_807 = arith.constant 0.000000e+00 : f32
    %lt3A_808 = vector.broadcast %lt3A_807 : f32 to vector<512x1xf32>
    %lt3A_809 = arith.cmpf olt, %add3A_803, %lt3A_808 : vector<512x1xf32>
    %jit3A_810 = arith.constant -1.000000e+00 : f32
    %jit3A_811 = arith.constant 0.000000e+00 : f32
    %broadcast_in_dim3A_812 = vector.broadcast %jit3A_810 : f32 to vector<512x1xf32>
    %broadcast_in_dim3A_813 = vector.broadcast %jit3A_811 : f32 to vector<512x1xf32>
    %select_n3A_814 = arith.select %lt3A_809, %broadcast_in_dim3A_812, %broadcast_in_dim3A_813 : vector<512x1xi1>, vector<512x1xf32>
    %jit3A_815 = arith.constant 1.000000e+00 : f32
    %broadcast_in_dim3A_816 = vector.broadcast %jit3A_815 : f32 to vector<512x1xf32>
    %select_n3A_817 = arith.select %gt3A_806, %broadcast_in_dim3A_816, %select_n3A_814 : vector<512x1xi1>, vector<512x1xf32>
    %or3A_818 = arith.ori %and3A_770, %iota3A_69 : vector<778x512xi32>
    %reduce_min3A_819 = arith.constant dense<2147483647> : vector<778xi32>
    %reduce_min3A_820 = vector.multi_reduction <minsi>, %or3A_818, %reduce_min3A_819 [1] : vector<778x512xi32> to vector<778xi32>
    %broadcast_in_dim3A_821 = vector.shape_cast %reduce_min3A_820 : vector<778xi32> to vector<778x1xi32>
    %eq3A_822 = vector.broadcast %broadcast_in_dim3A_821 : vector<778x1xi32> to vector<778x512xi32>
    %eq3A_823 = arith.cmpi eq, %or3A_818, %eq3A_822 : vector<778x512xi32>
    %convert_element_type3A_824 = arith.extui %eq3A_823 : vector<778x512xi1> to vector<778x512xi32>
    %convert_element_type3A_825 = arith.sitofp %convert_element_type3A_824 : vector<778x512xi32> to vector<778x512xf32>
    %dot_general3A_826 = arith.constant dense<0.000000e+00> : vector<778x3xf32>
    %dot_general3A_827 = tpu.matmul %convert_element_type3A_825, %get3A_672, %dot_general3A_826 {dimension_numbers = #tpu.dot_dimension_numbers<[1], [0], [0], [1], [0, 0, 1, 1], [], []>, transpose_lhs_hint = false} : vector<778x512xf32>, vector<512x3xf32>, vector<778x3xf32> -> vector<778x3xf32>
    %lt3A_828 = arith.cmpi slt, %broadcast_in_dim3A_821, %select_n3A_631 : vector<778x1xi32>
    %broadcast_in_dim3A_829 = vector.shape_cast %lt3A_828 : vector<778x1xi1> to vector<778x1xi1>
    %broadcast_in_dim3A_830 = vector.broadcast %broadcast_in_dim3A_829 : vector<778x1xi1> to vector<778x3xi1>
    %select_n3A_831 = arith.select %broadcast_in_dim3A_830, %dot_general3A_827, %select_n3A_634 : vector<778x3xi1>, vector<778x3xf32>
    %mul3A_832 = arith.mulf %sqrt3A_795, %select_n3A_817 : vector<512x1xf32>
    %lt3A_833 = arith.constant 0.00999999977 : f32
    %lt3A_834 = vector.broadcast %lt3A_833 : f32 to vector<512x1xf32>
    %lt3A_835 = arith.cmpf olt, %mul3A_832, %lt3A_834 : vector<512x1xf32>
    %gt3A_836 = arith.constant -5.000000e-03 : f32
    %gt3A_837 = vector.broadcast %gt3A_836 : f32 to vector<512x1xf32>
    %gt3A_838 = arith.cmpf ogt, %mul3A_832, %gt3A_837 : vector<512x1xf32>
    %and3A_839 = arith.andi %lt3A_835, %gt3A_838 : vector<512x1xi1>
    %jit3A_840 = arith.constant 1.000000e+00 : f32
    %jit3A_841 = arith.constant 1.000000e-01 : f32
    %broadcast_in_dim3A_842 = vector.broadcast %jit3A_840 : f32 to vector<512x1xf32>
    %broadcast_in_dim3A_843 = vector.broadcast %jit3A_841 : f32 to vector<512x1xf32>
    %select_n3A_844 = arith.select %and3A_839, %broadcast_in_dim3A_842, %broadcast_in_dim3A_843 : vector<512x1xi1>, vector<512x1xf32>
    %lt3A_845 = arith.constant 0.000000e+00 : f32
    %lt3A_846 = vector.broadcast %lt3A_845 : f32 to vector<512x1xf32>
    %lt3A_847 = arith.cmpf olt, %mul3A_754, %lt3A_846 : vector<512x1xf32>
    %jit3A_848 = arith.constant 1.500000e+00 : f32
    %broadcast_in_dim3A_849 = vector.broadcast %jit3A_848 : f32 to vector<512x1xf32>
    %select_n3A_850 = arith.select %lt3A_847, %broadcast_in_dim3A_849, %select_n3A_844 : vector<512x1xi1>, vector<512x1xf32>
    %sub3A_851 = arith.subf %mul3A_754, %mul3A_832 : vector<512x1xf32>
    %abs3A_852 = math.absf %sub3A_851 : vector<512x1xf32>
    %mul3A_853 = arith.mulf %abs3A_852, %select_n3A_850 : vector<512x1xf32>
    %reduce_sum3A_854 = vector.shape_cast %mul3A_853 : vector<512x1xf32> to vector<1x512x1xf32>
    %reduce_sum3A_855 = arith.constant dense<0.000000e+00> : vector<1xf32>
    %reduce_sum3A_856 = vector.multi_reduction <add>, %reduce_sum3A_854, %reduce_sum3A_855 [1, 2] : vector<1x512x1xf32> to vector<1xf32>
    %reduce_sum3A_857 = vector.shape_cast %reduce_sum3A_856 : vector<1xf32> to vector<1x1x1xf32>
    %reduce_sum3A_858 = vector.extract %reduce_sum3A_857[0, 0, 0] : f32 from vector<1x1x1xf32>
    %add3A_859 = arith.addf %add3A_662, %reduce_sum3A_858 : f32
    %sub3A_860 = arith.subf %get3A_5, %select_n3A_753 : vector<778x3xf32>
    %mul3A_861 = arith.mulf %sub3A_860, %sub3A_860 : vector<778x3xf32>
    %reduce_sum3A_862 = arith.constant dense<0.000000e+00> : vector<778xf32>
    %reduce_sum3A_863 = vector.multi_reduction <add>, %mul3A_861, %reduce_sum3A_862 [1] : vector<778x3xf32> to vector<778xf32>
    %broadcast_in_dim3A_864 = vector.shape_cast %reduce_sum3A_863 : vector<778xf32> to vector<778x1xf32>
    %sqrt3A_865 = math.sqrt %broadcast_in_dim3A_864 : vector<778x1xf32>
    %sub3A_866 = arith.subf %get3A_10, %select_n3A_831 : vector<778x3xf32>
    %mul3A_867 = arith.mulf %sub3A_866, %sub3A_866 : vector<778x3xf32>
    %reduce_sum3A_868 = arith.constant dense<0.000000e+00> : vector<778xf32>
    %reduce_sum3A_869 = vector.multi_reduction <add>, %mul3A_867, %reduce_sum3A_868 [1] : vector<778x3xf32> to vector<778xf32>
    %broadcast_in_dim3A_870 = vector.shape_cast %reduce_sum3A_869 : vector<778xf32> to vector<778x1xf32>
    %sqrt3A_871 = math.sqrt %broadcast_in_dim3A_870 : vector<778x1xf32>
    %log3A = math.log %get3A_13 : vector<778x1xf32>
    %mul3A_872 = arith.constant 4.000000e-01 : f32
    %mul3A_873 = vector.broadcast %mul3A_872 : f32 to vector<778x1xf32>
    %mul3A_874 = arith.mulf %mul3A_873, %log3A : vector<778x1xf32>
    %exp3A = math.exp %mul3A_874 : vector<778x1xf32>
    %abs3A_875 = math.absf %sqrt3A_865 : vector<778x1xf32>
    %abs3A_876 = math.absf %sqrt3A_871 : vector<778x1xf32>
    %sub3A_877 = arith.subf %abs3A_875, %abs3A_876 : vector<778x1xf32>
    %abs3A_878 = math.absf %sub3A_877 : vector<778x1xf32>
    %mul3A_879 = arith.mulf %abs3A_878, %exp3A : vector<778x1xf32>
    %reduce_sum3A_880 = vector.shape_cast %mul3A_879 : vector<778x1xf32> to vector<1x778x1xf32>
    %reduce_sum3A_881 = arith.constant dense<0.000000e+00> : vector<1xf32>
    %reduce_sum3A_882 = vector.multi_reduction <add>, %reduce_sum3A_880, %reduce_sum3A_881 [1, 2] : vector<1x778x1xf32> to vector<1xf32>
    %reduce_sum3A_883 = vector.shape_cast %reduce_sum3A_882 : vector<1xf32> to vector<1x1x1xf32>
    %reduce_sum3A_884 = vector.extract %reduce_sum3A_883[0, 0, 0] : f32 from vector<1x1x1xf32>
    %mul3A_885 = arith.constant 0.00279763807 : f32
    %mul3A_886 = arith.mulf %mul3A_885, %reduce_sum3A_884 : f32
    %mul3A_887 = arith.constant 9.10949719E-4 : f32
    %mul3A_888 = arith.mulf %mul3A_887, %add3A_859 : f32
    %add3A_889 = arith.addf %mul3A_886, %mul3A_888 : f32
    %sub3A_890 = arith.subf %get3A_18, %get3A_23 : vector<1x61xf32>
    %mul3A_891 = arith.mulf %sub3A_890, %sub3A_890 : vector<1x61xf32>
    %reduce_sum3A_892 = vector.shape_cast %mul3A_891 : vector<1x61xf32> to vector<1x1x61xf32>
    %reduce_sum3A_893 = arith.constant dense<0.000000e+00> : vector<1xf32>
    %reduce_sum3A_894 = vector.multi_reduction <add>, %reduce_sum3A_892, %reduce_sum3A_893 [1, 2] : vector<1x1x61xf32> to vector<1xf32>
    %reduce_sum3A_895 = vector.shape_cast %reduce_sum3A_894 : vector<1xf32> to vector<1x1x1xf32>
    %reduce_sum3A_896 = vector.extract %reduce_sum3A_895[0, 0, 0] : f32 from vector<1x1x1xf32>
    %div3A_897 = arith.constant 1.600000e+01 : f32
    %div3A_898 = arith.divf %reduce_sum3A_896, %div3A_897 : f32
    %sub3A_899 = arith.subf %get3A_5, %get3A_10 : vector<778x3xf32>
    %mul3A_900 = arith.mulf %sub3A_899, %sub3A_899 : vector<778x3xf32>
    %reduce_sum3A_901 = vector.shape_cast %mul3A_900 : vector<778x3xf32> to vector<1x778x3xf32>
    %reduce_sum3A_902 = arith.constant dense<0.000000e+00> : vector<1xf32>
    %reduce_sum3A_903 = vector.multi_reduction <add>, %reduce_sum3A_901, %reduce_sum3A_902 [1, 2] : vector<1x778x3xf32> to vector<1xf32>
    %reduce_sum3A_904 = vector.shape_cast %reduce_sum3A_903 : vector<1xf32> to vector<1x1x1xf32>
    %reduce_sum3A_905 = vector.extract %reduce_sum3A_904[0, 0, 0] : f32 from vector<1x1x1xf32>
    %div3A_906 = arith.constant 1.600000e+01 : f32
    %div3A_907 = arith.divf %reduce_sum3A_905, %div3A_906 : f32
    %add3A_908 = arith.constant 1.000000e+00 : f32
    %add3A_909 = vector.broadcast %add3A_908 : f32 to vector<1x64xf32>
    %add3A_910 = arith.addf %add3A_909, %get3A_33 : vector<1x64xf32>
    %mul3A_911 = arith.mulf %get3A_28, %get3A_28 : vector<1x64xf32>
    %sub3A_912 = arith.subf %add3A_910, %mul3A_911 : vector<1x64xf32>
    %exp3A_913 = math.exp %get3A_33 : vector<1x64xf32>
    %sub3A_914 = arith.subf %sub3A_912, %exp3A_913 : vector<1x64xf32>
    %reduce_sum3A_915 = vector.shape_cast %sub3A_914 : vector<1x64xf32> to vector<1x1x64xf32>
    %reduce_sum3A_916 = arith.constant dense<0.000000e+00> : vector<1xf32>
    %reduce_sum3A_917 = vector.multi_reduction <add>, %reduce_sum3A_915, %reduce_sum3A_916 [1, 2] : vector<1x1x64xf32> to vector<1xf32>
    %reduce_sum3A_918 = vector.shape_cast %reduce_sum3A_917 : vector<1xf32> to vector<1x1x1xf32>
    %reduce_sum3A_919 = vector.extract %reduce_sum3A_918[0, 0, 0] : f32 from vector<1x1x1xf32>
    %mul3A_920 = arith.constant -5.000000e-01 : f32
    %mul3A_921 = arith.mulf %mul3A_920, %reduce_sum3A_919 : f32
    %div3A_922 = arith.constant 1.600000e+01 : f32
    %div3A_923 = arith.divf %mul3A_921, %div3A_922 : f32
    %add3A_924 = arith.addf %div3A_907, %div3A_923 : f32
    %mul3A_925 = arith.constant 1.000000e-01 : f32
    %mul3A_926 = arith.mulf %mul3A_925, %div3A_898 : f32
    %add3A_927 = arith.addf %add3A_924, %mul3A_926 : f32
    %mul3A_928 = arith.constant 1.000000e+01 : f32
    %mul3A_929 = arith.mulf %mul3A_928, %add3A_889 : f32
    %add3A_930 = arith.addf %add3A_927, %mul3A_929 : f32
    %get3A_931 = arith.constant 0 : index
    %get3A_932 = arith.constant 0 : index
    %get3A_933 = vector.load %arg11[%get3A_931, %get3A_932] : memref<1x1xf32, #tpu.memory_space<vmem>>, vector<1x1xf32>
    %broadcast_in_dim3A_934 = arith.constant 1.000000e+00 : f32
    %broadcast_in_dim3A_935 = vector.broadcast %broadcast_in_dim3A_934 : f32 to vector<1x1xf32>
    %mul3A_936 = vector.broadcast %add3A_930 : f32 to vector<1x1xf32>
    %mul3A_937 = arith.mulf %broadcast_in_dim3A_935, %mul3A_936 : vector<1x1xf32>
    %add3A_938 = arith.addf %get3A_933, %mul3A_937 : vector<1x1xf32>
    %swap3A = arith.constant 0 : index
    %swap3A_939 = arith.constant 0 : index
    %swap3A_940 = vector.load %arg11[%swap3A, %swap3A_939] : memref<1x1xf32, #tpu.memory_space<vmem>>, vector<1x1xf32>
    tpu.vector_store %arg11[%swap3A, %swap3A_939], %add3A_938 {strides = array<i32>} : memref<1x1xf32, #tpu.memory_space<vmem>>, vector<1x1xf32>,
    %get3A_941 = arith.constant 0 : index
    %get3A_942 = arith.constant 0 : index
    %get3A_943 = vector.load %arg12[%get3A_941, %get3A_942] : memref<1x1xf32, #tpu.memory_space<vmem>>, vector<1x1xf32>
    %broadcast_in_dim3A_944 = arith.constant 1.000000e+00 : f32
    %broadcast_in_dim3A_945 = vector.broadcast %broadcast_in_dim3A_944 : f32 to vector<1x1xf32>
    %mul3A_946 = vector.broadcast %div3A_898 : f32 to vector<1x1xf32>
    %mul3A_947 = arith.mulf %broadcast_in_dim3A_945, %mul3A_946 : vector<1x1xf32>
    %add3A_948 = arith.addf %get3A_943, %mul3A_947 : vector<1x1xf32>
    %swap3A_949 = arith.constant 0 : index
    %swap3A_950 = arith.constant 0 : index
    %swap3A_951 = vector.load %arg12[%swap3A_949, %swap3A_950] : memref<1x1xf32, #tpu.memory_space<vmem>>, vector<1x1xf32>
    tpu.vector_store %arg12[%swap3A_949, %swap3A_950], %add3A_948 {strides = array<i32>} : memref<1x1xf32, #tpu.memory_space<vmem>>, vector<1x1xf32>,
    %get3A_952 = arith.constant 0 : index
    %get3A_953 = arith.constant 0 : index
    %get3A_954 = vector.load %arg13[%get3A_952, %get3A_953] : memref<1x1xf32, #tpu.memory_space<vmem>>, vector<1x1xf32>
    %broadcast_in_dim3A_955 = arith.constant 1.000000e+00 : f32
    %broadcast_in_dim3A_956 = vector.broadcast %broadcast_in_dim3A_955 : f32 to vector<1x1xf32>
    %mul3A_957 = vector.broadcast %add3A_889 : f32 to vector<1x1xf32>
    %mul3A_958 = arith.mulf %broadcast_in_dim3A_956, %mul3A_957 : vector<1x1xf32>
    %add3A_959 = arith.addf %get3A_954, %mul3A_958 : vector<1x1xf32>
    %swap3A_960 = arith.constant 0 : index
    %swap3A_961 = arith.constant 0 : index
    %swap3A_962 = vector.load %arg13[%swap3A_960, %swap3A_961] : memref<1x1xf32, #tpu.memory_space<vmem>>, vector<1x1xf32>
    tpu.vector_store %arg13[%swap3A_960, %swap3A_961], %add3A_959 {strides = array<i32>} : memref<1x1xf32, #tpu.memory_space<vmem>>, vector<1x1xf32>,
    %get3A_963 = arith.constant 0 : index
    %get3A_964 = arith.constant 0 : index
    %get3A_965 = vector.load %arg14[%get3A_963, %get3A_964] : memref<1x1xf32, #tpu.memory_space<vmem>>, vector<1x1xf32>
    %broadcast_in_dim3A_966 = arith.constant 1.000000e+00 : f32
    %broadcast_in_dim3A_967 = vector.broadcast %broadcast_in_dim3A_966 : f32 to vector<1x1xf32>
    %mul3A_968 = vector.broadcast %div3A_907 : f32 to vector<1x1xf32>
    %mul3A_969 = arith.mulf %broadcast_in_dim3A_967, %mul3A_968 : vector<1x1xf32>
    %add3A_970 = arith.addf %get3A_965, %mul3A_969 : vector<1x1xf32>
    %swap3A_971 = arith.constant 0 : index
    %swap3A_972 = arith.constant 0 : index
    %swap3A_973 = vector.load %arg14[%swap3A_971, %swap3A_972] : memref<1x1xf32, #tpu.memory_space<vmem>>, vector<1x1xf32>
    tpu.vector_store %arg14[%swap3A_971, %swap3A_972], %add3A_970 {strides = array<i32>} : memref<1x1xf32, #tpu.memory_space<vmem>>, vector<1x1xf32>,
    %get3A_974 = arith.constant 0 : index
    %get3A_975 = arith.constant 0 : index
    %get3A_976 = vector.load %arg15[%get3A_974, %get3A_975] : memref<1x1xf32, #tpu.memory_space<vmem>>, vector<1x1xf32>
    %broadcast_in_dim3A_977 = arith.constant 1.000000e+00 : f32
    %broadcast_in_dim3A_978 = vector.broadcast %broadcast_in_dim3A_977 : f32 to vector<1x1xf32>
    %mul3A_979 = vector.broadcast %div3A_923 : f32 to vector<1x1xf32>
    %mul3A_980 = arith.mulf %broadcast_in_dim3A_978, %mul3A_979 : vector<1x1xf32>
    %add3A_981 = arith.addf %get3A_976, %mul3A_980 : vector<1x1xf32>
    %swap3A_982 = arith.constant 0 : index
    %swap3A_983 = arith.constant 0 : index
    %swap3A_984 = vector.load %arg15[%swap3A_982, %swap3A_983] : memref<1x1xf32, #tpu.memory_space<vmem>>, vector<1x1xf32>
    tpu.vector_store %arg15[%swap3A_982, %swap3A_983], %add3A_981 {strides = array<i32>} : memref<1x1xf32, #tpu.memory_space<vmem>>, vector<1x1xf32>,
    return
  }
  func.func @transform_0(%arg0: i32) -> (i32, i32, i32) {
    %c0_i32 = arith.constant 0 : i32
    %c0_i32_0 = arith.constant 0 : i32
    %c0_i32_1 = arith.constant 0 : i32
    return %arg0, %c0_i32, %c0_i32_0 : i32, i32, i32
  }
  func.func @transform_1(%arg0: i32) -> (i32, i32, i32) {
    %c0_i32 = arith.constant 0 : i32
    %c0_i32_0 = arith.constant 0 : i32
    %c0_i32_1 = arith.constant 0 : i32
    return %arg0, %c0_i32, %c0_i32_0 : i32, i32, i32
  }
  func.func @transform_2(%arg0: i32) -> (i32, i32, i32, i32) {
    %c0_i32 = arith.constant 0 : i32
    %c0_i32_0 = arith.constant 0 : i32
    %c0_i32_1 = arith.constant 0 : i32
    %c0_i32_2 = arith.constant 0 : i32
    return %arg0, %c0_i32, %c0_i32_0, %c0_i32_1 : i32, i32, i32, i32
  }
  func.func @transform_3(%arg0: i32) -> (i32, i32, i32) {
    %c0_i32 = arith.constant 0 : i32
    %c0_i32_0 = arith.constant 0 : i32
    %c0_i32_1 = arith.constant 0 : i32
    return %arg0, %c0_i32, %c0_i32_0 : i32, i32, i32
  }
  func.func @transform_4(%arg0: i32) -> (i32, i32, i32) {
    %c0_i32 = arith.constant 0 : i32
    %c0_i32_0 = arith.constant 0 : i32
    %c0_i32_1 = arith.constant 0 : i32
    return %arg0, %c0_i32, %c0_i32_0 : i32, i32, i32
  }
  func.func @transform_5(%arg0: i32) -> (i32, i32) {
    %c0_i32 = arith.constant 0 : i32
    %c0_i32_0 = arith.constant 0 : i32
    %c0_i32_1 = arith.constant 0 : i32
    return %c0_i32, %c0_i32_0 : i32, i32
  }
  func.func @transform_6(%arg0: i32) -> (i32, i32, i32) {
    %c0_i32 = arith.constant 0 : i32
    %c0_i32_0 = arith.constant 0 : i32
    %c0_i32_1 = arith.constant 0 : i32
    return %arg0, %c0_i32, %c0_i32_0 : i32, i32, i32
  }
  func.func @transform_7(%arg0: i32) -> (i32, i32, i32) {
    %c0_i32 = arith.constant 0 : i32
    %c0_i32_0 = arith.constant 0 : i32
    %c0_i32_1 = arith.constant 0 : i32
    return %arg0, %c0_i32, %c0_i32_0 : i32, i32, i32
  }
  func.func @transform_8(%arg0: i32) -> (i32, i32, i32) {
    %c0_i32 = arith.constant 0 : i32
    %c0_i32_0 = arith.constant 0 : i32
    %c0_i32_1 = arith.constant 0 : i32
    return %arg0, %c0_i32, %c0_i32_0 : i32, i32, i32
  }
  func.func @transform_9(%arg0: i32) -> (i32, i32, i32) {
    %c0_i32 = arith.constant 0 : i32
    %c0_i32_0 = arith.constant 0 : i32
    %c0_i32_1 = arith.constant 0 : i32
    return %arg0, %c0_i32, %c0_i32_0 : i32, i32, i32
  }
  func.func @transform_10(%arg0: i32) -> (i32, i32) {
    %c0_i32 = arith.constant 0 : i32
    %c0_i32_0 = arith.constant 0 : i32
    %c0_i32_1 = arith.constant 0 : i32
    return %c0_i32, %c0_i32_0 : i32, i32
  }
  func.func @transform_11(%arg0: i32) -> (i32, i32) {
    %c0_i32 = arith.constant 0 : i32
    %c0_i32_0 = arith.constant 0 : i32
    %c0_i32_1 = arith.constant 0 : i32
    return %c0_i32, %c0_i32_0 : i32, i32
  }
  func.func @transform_12(%arg0: i32) -> (i32, i32) {
    %c0_i32 = arith.constant 0 : i32
    %c0_i32_0 = arith.constant 0 : i32
    %c0_i32_1 = arith.constant 0 : i32
    return %c0_i32, %c0_i32_0 : i32, i32
  }
  func.func @transform_13(%arg0: i32) -> (i32, i32) {
    %c0_i32 = arith.constant 0 : i32
    %c0_i32_0 = arith.constant 0 : i32
    %c0_i32_1 = arith.constant 0 : i32
    return %c0_i32, %c0_i32_0 : i32, i32
  }
  func.func @transform_14(%arg0: i32) -> (i32, i32) {
    %c0_i32 = arith.constant 0 : i32
    %c0_i32_0 = arith.constant 0 : i32
    %c0_i32_1 = arith.constant 0 : i32
    return %c0_i32, %c0_i32_0 : i32, i32
  }
}

</mosaic_0001>

<sc_bundles>
// kernel: kernel.4.cloned.1.call-start
scs
__scs_entry_jumppad:
0x0: {  	(pc) =	sbr.rel $0x88, $3  }
0x1: {  	(tag) =	ssettag $0x0;
	lr =	simm.s32 $0x1  }
0x2: {  	[smem:$0x3F98] =	sst lr;
	_ =	strace $0xD0000000  }
0x3: {  	_ = 	snop  }
0x4: {  	_ = 	snop  }
0x5: {  	_ = 	snop  }
0x6: {  	_ = 	snop  }
0x7: {  	_ = 	snop  }
__scs_overlays_trampoline_lowered:
0x8: {  	[smem:$0x3FA7] =	sst s0  }
0x9: {  	[smem:$0x3FA8] =	sst s1  }
0xa: {  	[smem:$0x3FA9] =	sst s2  }
0xb: {  	[smem:$0x3FAA] =	sst s3  }
0xc: {  	[smem:$0x3FAB] =	sst s4  }
0xd: {  	[smem:$0x3FAC] =	sst s5  }
0xe: {  	[smem:$0x3FAD] =	sst s6  }
0xf: {  	[smem:$0x3FAE] =	sst s7  }
0x10: {  	[smem:$0x3FAF] =	sst s8  }
0x11: {  	[smem:$0x3FB0] =	sst s9;
	s0 =	simm.s32 @!p0 $0x0  }
0x12: {  	s1 =	sld [smem:$0x3F96];
	s0 =	simm.s32 @p0 $0x1  }
0x13: {  	[smem:$0x3FB1] =	sst s0;
	s0 =	simm.s32 @!p1 $0x0  }
0x14: {  	s2 =	sld [smem:$0x3F95];
	s0 =	simm.s32 @p1 $0x1  }
0x15: {  	[smem:$0x3FB2] =	sst s0;
	s0 =	simm.s32 @!p2 $0x0  }
0x16: {  	s3 =	sld [smem:$0x3FDB];
	s0 =	simm.s32 @p2 $0x1  }
0x17: {  	s4 =	simm.s32 $0x1BF5;
	[smem:$0x3FB4] =	sst s0  }
0x18: {  	s0 =	sld [smem:$0x3F97];
	_ =	swait.ge [sflag:s4], $0x0  }
0x19: {  	s7 =	sld [smem:$0x3F98]  }
0x1a: {  	s8 =	sadd.s32 $0xFFFFE003, lr  }
0x1b: {  	s9 =	sadd.s32 $0xFFFFFEF7, lr;
	s5 =	simm.s32 $0xFFFFFFFF;
	p2 =	slt.u32 s8, $0xFFFFF086  }
0x1c: {  	p1 =	slt.u32 s9, $0xF7A;
	s5 =	simm.s32 @!p2 $0x0  }
0x1d: {  	s5 =	simm.s32 @p1 $0x1;
	p0 =	seq.s32 s7, s2  }
0x1e: {  	s7 =	smul.u32 @!p0 $0xF7A, s2;
	p2 =	seq.s32 @!p0 s5, $0x0  }
0x1f: {  	s9 =	smul.u32 $0xF7A, s1;
	s8 =	simm.s32 @!p0 $0x1BF5;
	p2 =	por !p2, p0  }
0x20: {  	[sflag:s8] =	ssyncset.s32 @!p0 $0xFFFFF086;
	s6 =	sadd.s32 @!p0 s3, s7;
	s7 =	simm.s32 @!p0 $0x108  }
0x21: {  	s3 =	sadd.s32 s3, s9;
	s6 =	sadd.s32 @!p0 $0x88, s6;
	s7 =	simm.s32 @p2 $0x1082  }
0x22: {  	[simem:s7], [sflag:s8] =	dma.local @!p0 [hbm:s6], $0xF7A  }
0x23: {  	s9 =	sor.u32 $0xD0000000, s2;
	s6 =	simm.s32 $0x108;
	_ =	swait.ge @!p0 [sflag:s8], $0x0  }
0x24: {  	s3 =	sadd.s32 $0x88, s3;
	s6 =	simm.s32 @!p1 $0x1082;
	[sflag:s4] =	ssyncset.s32 $0xFFFFF086  }
0x25: {  	[simem:s6], [sflag:s4] =	dma.local [hbm:s3], $0xF7A  }
0x26: {  	[smem:$0x3F98] =	sst s1;
	(tag) =	ssettag s2;
	_ =	strace s9  }
0x27: {  	s1 =	sld [smem:$0x3FA8]  }
0x28: {  	s2 =	sld [smem:$0x3FA9]  }
0x29: {  	s4 =	sld [smem:$0x3FAB]  }
0x2a: {  	p0 =	seq.s32 s5, $0x0;
	s5 =	sld [smem:$0x3FAC]  }
0x2b: {  	s6 =	sld [smem:$0x3FAD]  }
0x2c: {  	s7 =	sld [smem:$0x3FAE]  }
0x2d: {  	s3 =	simm.s32 $0x108;
	s8 =	sld [smem:$0x3FAF]  }
0x2e: {  	s3 =	simm.s32 @!p0 $0x1082;
	s9 =	sld [smem:$0x3FB0]  }
0x2f: {  	lr =	sadd.s32 s0, s3;
	s0 =	sld [smem:$0x3FA7]  }
0x30: {  	s3 =	sld [smem:$0x3FAA]  }
0x31: {  	[smem:$0x3FB3] =	sst s10  }
0x32: {  	s10 =	sld [smem:$0x3FB1];
	_ =	sdelay $0x3  }
0x33: {  	p0 =	seq.s32 s10, $0x1;
	s10 =	sld [smem:$0x3FB3];
	_ =	sdelay $0x3  }
0x34: {  	[smem:$0x3FB3] =	sst s10  }
0x35: {  	s10 =	sld [smem:$0x3FB2];
	_ =	sdelay $0x3  }
0x36: {  	p1 =	seq.s32 s10, $0x1;
	s10 =	sld [smem:$0x3FB3];
	_ =	sdelay $0x3  }
0x37: {  	[smem:$0x3FB3] =	sst s10  }
0x38: {  	s10 =	sld [smem:$0x3FB4]  }
0x39: {  	_ = 	snop;
	(pc) =	sbr.ind lr, $3  }
0x3a: {  	_ = 	snop  }
0x3b: {  	_ = 	snop  }
0x3c: {  	p2 =	seq.s32 s10, $0x1;
	s10 =	sld [smem:$0x3FB3]  }
0x3d: {  	_ =	shalt  }
0x3e: {  	_ =	shalt  }
0x3f: {  	_ =	shalt  }
0x40: {  	_ =	shalt  }
0x41: {  	_ =	shalt  }
0x42: {  	_ =	shalt  }
0x43: {  	_ =	shalt  }
0x44: {  	_ =	shalt  }
0x45: {  	_ =	shalt  }
0x46: {  	_ =	shalt  }
0x47: {  	_ =	shalt  }
0x48: {  	_ =	shalt  }
0x49: {  	_ =	shalt  }
0x4a: {  	_ =	shalt  }
0x4b: {  	_ =	shalt  }
0x4c: {  	_ =	shalt  }
0x4d: {  	_ =	shalt  }
0x4e: {  	_ =	shalt  }
0x4f: {  	_ =	shalt  }
0x50: {  	_ =	shalt  }
0x51: {  	_ =	shalt  }
0x52: {  	_ =	shalt  }
0x53: {  	_ =	shalt  }
0x54: {  	_ =	shalt  }
0x55: {  	_ =	shalt  }
0x56: {  	_ =	shalt  }
0x57: {  	_ =	shalt  }
0x58: {  	_ =	shalt  }
0x59: {  	_ =	shalt  }
0x5a: {  	_ =	shalt  }
0x5b: {  	_ =	shalt  }
0x5c: {  	_ =	shalt  }
0x5d: {  	_ =	shalt  }
0x5e: {  	_ =	shalt  }
0x5f: {  	_ =	shalt  }
0x60: {  	_ =	shalt  }
0x61: {  	_ =	shalt  }
0x62: {  	_ =	shalt  }
0x63: {  	_ =	shalt  }
0x64: {  	_ =	shalt  }
0x65: {  	_ =	shalt  }
0x66: {  	_ =	shalt  }
0x67: {  	_ =	shalt  }
0x68: {  	_ =	shalt  }
0x69: {  	_ =	shalt  }
0x6a: {  	_ =	shalt  }
0x6b: {  	_ =	shalt  }
0x6c: {  	_ =	shalt  }
0x6d: {  	_ =	shalt  }
0x6e: {  	_ =	shalt  }
0x6f: {  	_ =	shalt  }
0x70: {  	_ =	shalt  }
0x71: {  	_ =	shalt  }
0x72: {  	_ =	shalt  }
0x73: {  	_ =	shalt  }
0x74: {  	_ =	shalt  }
0x75: {  	_ =	shalt  }
0x76: {  	_ =	shalt  }
0x77: {  	_ =	shalt  }
0x78: {  	_ =	shalt  }
0x79: {  	_ =	shalt  }
0x7a: {  	_ =	shalt  }
0x7b: {  	_ =	shalt  }
0x7c: {  	_ =	shalt  }
0x7d: {  	_ =	shalt  }
0x7e: {  	_ =	shalt  }
0x7f: {  	_ =	shalt  }
0x80: {  	_ =	shalt  }
0x81: {  	_ =	shalt  }
0x82: {  	_ =	shalt  }
0x83: {  	_ =	shalt  }
0x84: {  	_ =	shalt  }
0x85: {  	_ =	shalt  }
0x86: {  	_ =	shalt  }
0x87: {  	_ =	shalt  }
.Lfunc_end0:
.L_simem_size_0:
called_computation_lowered:
.L_overlay_start_0:
0x88: {  	s2 =	sld [smem:$0x3FD9]  }
0x89: {  	s3 =	sld [smem:$0x3FFE];
	_ =	sdelay $0x1  }
0x8a: {  	s1 =	srdreg.scid  }
0x8b: {  	s0 =	sand.u32 $0x1, s1  }
0x8c: {  	s16 =	sshll.u32 s0, $0xA;
	s2 =	sadd.s32 s3, s2  }
0x8d: {  	s2 =	sadd.s32 s2, s16  }
0x8e: {  	[smem:$0x3FBF] =	sst s2  }
0x8f: {  	_ = 	snop  }
0x90: {  	(tm) =	ssettm $0x1  }
0x91: {  	s17 =	sld [smem:$0x3FFB];
	_ =	sdelay $0x3  }
0x92: {  	_ =	strace s17  }
0x93: {  	s2 =	sld [smem:$0x3FFC];
	_ =	sdelay $0x3  }
0x94: {  	_ =	strace s2  }
0x95: {  	s2 =	sld [smem:$0x3FFD];
	_ =	sdelay $0x3  }
0x96: {  	_ =	strace s2  }
0x97: {  	_ =	strace $0x8FFFFFFF  }
0x98: {  	s18 =	sld [smem:$0x3FDB];
	_ =	sdelay $0x1  }
0x99: {  	s19 =	simm.s32 $_scs_section_size  }
0x9a: {  	s4 =	simm.s32 $_size__tile_overlayer_lowered;
	s5 =	simm.s32 $_tile_overlayer_lowered  }
0x9b: {  	s22 =	simm.s32 $0x1BFF;
	s21 =	sshll.u32 s5, $0x1;
	s2 =	sadd.s32 s19, s18  }
0x9c: {  	s6 =	simm.s32 $0x0;
	s20 =	sshll.u32 s4, $0x1;
	s4 =	sadd.s32 s21, s2  }
0x9d: {  	[timem:s6], [sflag:s22] =	dma.local [hbm:s4], s20  }
0x9e: {  	_ =	swait.ge [sflag:s22], s20  }
0x9f: {  	s3 =	ssub.s32 $0x0, s20;
	[sflag:s22] =	ssyncset.done $0x0  }
0xa0: {  	[sflag:s22] =	ssyncadd.s32 s3;
	_ =	sdelay $0x1  }
0xa1: {  	s23 =	simm.s32 $0x1B8B  }
0xa2: {  	_ =	swait.ge [sflag:s23], $0x1  }
0xa3: {  	[sflag:s23] =	ssyncset.done $0x0  }
0xa4: {  	s25 =	simm.s32 $0x1B8E;
	s24 =	sld [smem:$0x3FFE];
	[sflag:s23] =	ssyncadd.s32 $0xFFFFFFFF  }
0xa5: {  	s26 =	simm.s32 $execute0_lowered;
	[smem:$0x3FD2] =	sst s25  }
0xa6: {  	s4 =	sshll.u32 s26, $0x1;
	_ =	strace $0x80000046;
	[dreg:$0x1] =	wrdreg $0xFFFFFFFF  }
0xa7: {  	s28 =	simm.s32 $_size_execute0_lowered;
	s2 =	sadd.s32 s2, s4;
	[dreg:$0x0] =	wrdreg $0x0  }
0xa8: {  	s4 =	sshll.u32 s28, $0x1;
	[dreg:$0x2] =	wrdreg s2  }
0xa9: {  	[dreg:$0x3] =	wrdreg s4  }
0xaa: {  	[dreg:$0x4] =	wrdreg $0xC0  }
0xab: {  	_ =	task [dreg:s6], $0x5FFFF  }
0xac: {  	[dreg:$0x1] =	wrdreg $0xFFFFFFFF  }
0xad: {  	[dreg:$0x0] =	wrdreg $0x60  }
0xae: {  	[dreg:$0x2] =	wrdreg s24  }
0xaf: {  	[dreg:$0x3] =	wrdreg $0x9  }
0xb0: {  	_ =	task.clear_ibuf [dreg:s6], $0x4FFFF;
	_ =	strace $0x90000046  }
0xb1: {  	s29 =	simm.s32 $0x9;
	_ =	strace $0x80000048  }
0xb2: {  	_ =	swait.ge [sflag:s29], $0x1  }
0xb3: {  	[sflag:s29] =	ssyncadd.s32 $0xFFFFFFFF  }
0xb4: {  	_ =	strace $0x90000048  }
0xb5: {  	_ =	sfence  }
0xb6: {  	s30 =	sld [smem:$0x0];
	_ =	sdelay $0x2  }
0xb7: {  	s31 =	sshll.u32 s1, $0xD;
	s1 =	sshrl.u32 s1, $0x2  }
0xb8: {  	s3 =	sand.u32 $0x4000, s31;
	s1 =	sadd.s32 s1, s30  }
0xb9: {  	s0 =	sor.u32 s3, s0;
	s1 =	sshll.u32 s1, $0x11  }
0xba: {  	s0 =	sor.u32 s1, s0  }
0xbb: {  	s0 =	sadd.s32 $0x8F2B, s0  }
0xbc: {  	[sflag:s0] =	ssyncadd.remote.s32 $0x1  }
0xbd: {  	_ =	sfence.sel $0xFFFF  }
0xbe: {  	[dreg:$0x0] =	wrdreg $0xFFFFFFFF;
	(pc) =	sbr.abs _section_cstart, $3  }
0xbf: {  	[dreg:$0x1] =	wrdreg $0xFFFFFFFF  }
0xc0: {  	_ =	task.clear_ibuf [dreg:s6], $0x2FFFF;
	_ =	strace $0x9FFFFFFF  }
0xc1: {  	(tm) =	ssettm $0x7FFFFFFF  }
tec
execute0_lowered:
.L_overlay_start_1:
0x0: {  	(tag) =	ssettag $0x1  }
0x1: {  	s1 =	srdreg.scid  }
0x2: {  	s0 =	stileid.u32;
	s4 =	sand.u32 $0x1, s1  }
0x3: {  	s5 =	rddreg [dreg:$0x0];
	s3 =	simm.s32 $0x1;
	s1 =	sor.u32 s4, s0  }
0x4: {  	s2 =	simm.s32 $0x0;
	p1 =	seq.s32 s4, $0x1;
	p0 =	seq.s32 s1, $0x0  }
0x5: {  	s10 =	simm.s32 $0x400;
	s11 =	simm.s32 $0x980;
	p0 =	por !p0, !p1  }
0x6: {  	s12 =	simm.s32 $0x1C80;
	s13 =	simm.s32 $0x0;
	p0 =	por !p0, !p0  }
0x7: {  	[smem:$0x7FF] =	sst s2;
	s9 =	sshll.u32 s4, $0x7;
	s3 =	simm.s32 @!p0 $0x0  }
0x8: {  	s4 =	ssub.s32 $0x2, s4;
	s1 =	rddreg [dreg:$0x1];
	s3 =	ssub.s32 s0, s3  }
0x9: {  	_ =	strace $0x80000047;
	s6 =	sshrl.u32 s3, $0x3;
	s7 =	smul.u32 $0x1300, s3  }
0xa: {  	s31 =	sshrl.u32 s4, $0x1;
	s8 =	sshll.u32 s3, $0x7;
	s6 =	smul.u32 $0x9800, s6  }
0xb: {  	s3 =	simm.s32 $0x1;
	s8 =	sand.u32 $0x380, s8;
	s7 =	sor.u32 s9, s7  }
0xc: {  	s9 =	simm.s32 $0x100;
	s6 =	sor.u32 s8, s6;
	s7 =	sshrl.u32 s7, $0x3  }
0xd: {  	s8 =	ssub.s32 s4, s31;
	s6 =	sshrl.u32 s6, $0x3;
	s7 =	sadd.s32 s7, s5  }
0xe: {  	s5 =	sadd.s32 s6, s5;
	s4 =	sadd.s32 $0x3C00, s7;
	s6 =	sadd.s32 $0x6200, s7  }
0xf: {  	v0 =	vimm.f32 $0.0e+00;
	s7 =	smax.u32 s8, $0x1;
	s8 =	simm.s32 $0x80;
	s5 =	sadd.s32 $0x1600, s5  }
.LBB2_1:
0x10: {  	[tilespmem:s2], [sflag:$0x1] =	stream.strided.gather [hbm4b:s4+s8], $0x980, s9, s8, $0x38;
	[tilespmem:$0x2600] =	vst v63  }
0x11: {  	_ =	swait.ge [sflag:s3], $0x980  }
0x12: {  	[sflag:s3] =	ssyncset.done $0x0  }
0x13: {  	[sflag:s3] =	ssyncadd.s32 $0xFFFFF680  }
0x14: {  	[tilespmem:s11], [sflag:$0x1] =	stream.strided.gather [hbm4b:s5+s8], $0x1300, s10, s8, $0x38;
	[tilespmem:$0x2600] =	vst v63  }
0x15: {  	_ =	swait.ge [sflag:s3], $0x1300  }
0x16: {  	[sflag:s3] =	ssyncset.done $0x0  }
0x17: {  	s14 =	simm.s32 $0x0;
	[sflag:s3] =	ssyncadd.s32 $0xFFFFED00  }
.LBB2_2:
0x18: {  	p0 =	sne.s32 s14, $0x2480  }
.Ltmp0:
0x19: {  	_ = 	snop;
	(pc) =	sbr.rel @p0 .LBB2_2-.Ltmp0, $3  }
0x1a: {  	_ =	sdelay $0x1  }
0x1b: {  	s15 =	sshra.s32 s14, $0x2  }
0x1c: {  	s14 =	sadd.s32 $0x40, s14;
	[tilespmem:s15+$0x1C80] =	vst v0  }
0x1d: {  	s14 =	simm.s32 $0x0;
	s15 =	simm.s32 $0xFC0  }
0x1e: {  	s14 =	sand.u32 $0x7F0, s14;
	v1 =	vld [tilespmem:s15+$0xFFFFF9C0]  }
0x1f: {  	v2 =	vld [tilespmem:s14+$0x1600];
	_ =	sdelay $0x3  }
0x20: {  	v4 =	vmul.u32 $0x3, v1  }
0x21: {  	v3 =	vld [tilespmem:s15+$0x0];
	v2 =	vmul.u32 $0x3, v2;
	_ =	sdelay $0x1  }
0x22: {  	v1 =	vadd.s32 $0x2, v2;
	_ =	sdelay $0x1  }
0x23: {  	v8 =	vadd.s32 $0x2, v4  }
0x24: {  	s30 =	simm.s32 $0x10;
	s31 =	simm.s32 $0x20;
	v3 =	vmul.u32 $0x3, v3;
	v9 =	vadd.s32 $0x1, v4;
	v10 =	vld.idx.msk [tilespmem:v4+s2+$0x0], $0xffff  }
0x25: {  	s16 =	simm.s32 $0xFD0;
	s18 =	simm.s32 $0x30;
	s19 =	simm.s32 $0xFE0;
	v7 =	vadd.s32 $0x1, v2;
	v11 =	vld.idx.msk [tilespmem:v2+s2+$0x0], $0xffff  }
0x26: {  	s17 =	sand.u32 $0x7F0, s30;
	s15 =	simm.s32 $0xFE0;
	s14 =	sand.u32 $0x7F0, s31;
	v5 =	vadd.s32 $0x1, v3;
	v6 =	vadd.s32 $0x2, v3;
	v12 =	vld.idx.msk [tilespmem:v1+s2+$0x0], $0xffff  }
.LBB2_4:
0x27: {  	p0 =	sne.s32 s18, $0x630  }
0x28: {  	s19 =	sadd.s32 $0x10, s19;
	v13 =	vld.idx.msk [tilespmem:v8+s2+$0x0], $0xffff;
	s20 =	smov.u32 s18;
	s18 =	sadd.s32 $0x10, s18  }
0x29: {  	v14 =	vld.idx.msk [tilespmem:v9+s2+$0x0], $0xffff  }
0x2a: {  	v15 =	vld.idx.msk [tilespmem:v7+s2+$0x0], $0xffff  }
0x2b: {  	v16 =	vld.idx.msk [tilespmem:v6+s2+$0x0], $0xffff  }
0x2c: {  	v17 =	vld.idx.msk [tilespmem:v5+s2+$0x0], $0xffff  }
0x2d: {  	v18 =	vld.idx.msk [tilespmem:v3+s2+$0x0], $0xffff  }
0x2e: {  	s20 =	sand.u32 $0x7F0, s20;
	v12 =	vsub.f32 v12, v13;
	_ =	sdelay $0x1  }
0x2f: {  	v11 =	vsub.f32 v11, v10  }
0x30: {  	v15 =	vsub.f32 v15, v14;
	v13 =	vsub.f32 v16, v13  }
0x31: {  	v14 =	vsub.f32 v17, v14  }
0x32: {  	v10 =	vsub.f32 v18, v10;
	v16 =	vmul.f32 v15, v13;
	v13 =	vmul.f32 v11, v13  }
0x33: {  	v17 =	vmul.f32 v12, v14;
	v11 =	vmul.f32 v11, v14  }
0x34: {  	v12 =	vmul.f32 v12, v10  }
0x35: {  	v10 =	vmul.f32 v15, v10;
	v14 =	vsub.f32 v17, v16  }
0x36: {  	v12 =	vsub.f32 v13, v12  }
0x37: {  	v10 =	vsub.f32 v10, v11;
	[tilespmem:v4+s12+$0x0] =	vst.idx.add.f32.msk $0xffff, v14  }
0x38: {  	[tilespmem:v9+s12+$0x0] =	vst.idx.add.f32.msk $0xffff, v12  }
0x39: {  	[tilespmem:v8+s12+$0x0] =	vst.idx.add.f32.msk $0xffff, v10  }
0x3a: {  	[tilespmem:v3+s12+$0x0] =	vst.idx.add.f32.msk $0xffff, v14  }
0x3b: {  	[tilespmem:v5+s12+$0x0] =	vst.idx.add.f32.msk $0xffff, v12  }
0x3c: {  	[tilespmem:v6+s12+$0x0] =	vst.idx.add.f32.msk $0xffff, v10  }
0x3d: {  	[tilespmem:v2+s12+$0x0] =	vst.idx.add.f32.msk $0xffff, v14  }
0x3e: {  	[tilespmem:v7+s12+$0x0] =	vst.idx.add.f32.msk $0xffff, v12  }
0x3f: {  	[tilespmem:v1+s12+$0x0] =	vst.idx.add.f32.msk $0xffff, v10  }
0x40: {  	v1 =	vld [tilespmem:s16+$0xFFFFF9C0]  }
0x41: {  	v2 =	vld [tilespmem:s17+$0x1600];
	s17 =	smov.u32 s14;
	s14 =	smov.u32 s20  }
0x42: {  	v3 =	vld [tilespmem:s16+$0x0];
	s16 =	smov.u32 s15;
	s15 =	smov.u32 s19;
	_ =	sdelay $0x2  }
0x43: {  	v4 =	vmul.u32 $0x3, v1  }
0x44: {  	v2 =	vmul.u32 $0x3, v2  }
0x45: {  	v3 =	vmul.u32 $0x3, v3  }
0x46: {  	v1 =	vadd.s32 $0x2, v2  }
.Ltmp1:
0x47: {  	v8 =	vadd.s32 $0x2, v4;
	v5 =	vadd.s32 $0x1, v3;
	v6 =	vadd.s32 $0x2, v3;
	(pc) =	sbr.rel @p0 .LBB2_4-.Ltmp1, $4  }
0x48: {  	v9 =	vadd.s32 $0x1, v4  }
0x49: {  	v7 =	vadd.s32 $0x1, v2;
	v10 =	vld.idx.msk [tilespmem:v4+s2+$0x0], $0xffff  }
0x4a: {  	v11 =	vld.idx.msk [tilespmem:v2+s2+$0x0], $0xffff  }
0x4b: {  	v12 =	vld.idx.msk [tilespmem:v1+s2+$0x0], $0xffff  }
0x4c: {  	_ =	sdelay $0x3  }
0x4d: {  	v13 =	vld.idx.msk [tilespmem:v8+s2+$0x0], $0xffff  }
0x4e: {  	v14 =	vld.idx.msk [tilespmem:v9+s2+$0x0], $0xffff  }
0x4f: {  	v15 =	vld.idx.msk [tilespmem:v7+s2+$0x0], $0xffff  }
0x50: {  	v16 =	vld.idx.msk [tilespmem:v6+s2+$0x0], $0xffff  }
0x51: {  	v17 =	vld.idx.msk [tilespmem:v5+s2+$0x0], $0xffff  }
0x52: {  	v18 =	vld.idx.msk [tilespmem:v3+s2+$0x0], $0xffff;
	_ =	sdelay $0x2  }
0x53: {  	v12 =	vsub.f32 v12, v13;
	v13 =	vsub.f32 v16, v13  }
0x54: {  	v15 =	vsub.f32 v15, v14;
	v14 =	vsub.f32 v17, v14  }
0x55: {  	v11 =	vsub.f32 v11, v10;
	v37 =	vsub.f32 v18, v10  }
0x56: {  	v16 =	vmul.f32 v15, v13;
	v17 =	vmul.f32 v12, v14  }
0x57: {  	v13 =	vmul.f32 v11, v13;
	v12 =	vmul.f32 v12, v37  }
0x58: {  	v11 =	vmul.f32 v11, v14;
	v10 =	vmul.f32 v15, v37;
	v38 =	vsub.f32 v17, v16  }
0x59: {  	v12 =	vsub.f32 v13, v12  }
0x5a: {  	v10 =	vsub.f32 v10, v11;
	[tilespmem:v4+s12+$0x0] =	vst.idx.add.f32.msk $0xffff, v38  }
0x5b: {  	[tilespmem:v9+s12+$0x0] =	vst.idx.add.f32.msk $0xffff, v12  }
0x5c: {  	[tilespmem:v8+s12+$0x0] =	vst.idx.add.f32.msk $0xffff, v10  }
0x5d: {  	[tilespmem:v3+s12+$0x0] =	vst.idx.add.f32.msk $0xffff, v38  }
0x5e: {  	[tilespmem:v5+s12+$0x0] =	vst.idx.add.f32.msk $0xffff, v12  }
0x5f: {  	[tilespmem:v6+s12+$0x0] =	vst.idx.add.f32.msk $0xffff, v10  }
0x60: {  	[tilespmem:v2+s12+$0x0] =	vst.idx.add.f32.msk $0xffff, v38  }
0x61: {  	[tilespmem:v7+s12+$0x0] =	vst.idx.add.f32.msk $0xffff, v12  }
0x62: {  	[tilespmem:v1+s12+$0x0] =	vst.idx.add.f32.msk $0xffff, v10  }
0x63: {  	v1 =	vld [tilespmem:s16+$0xFFFFF9C0]  }
0x64: {  	v2 =	vld [tilespmem:s17+$0x1600];
	_ =	sdelay $0x3  }
0x65: {  	v3 =	vld [tilespmem:s16+$0x0];
	v1 =	vmul.u32 $0x3, v1  }
0x66: {  	v2 =	vmul.u32 $0x3, v2;
	_ =	sdelay $0x1  }
0x67: {  	v39 =	vadd.s32 $0x2, v2  }
0x68: {  	v40 =	vadd.s32 $0x2, v1  }
0x69: {  	v3 =	vmul.u32 $0x3, v3;
	v41 =	vadd.s32 $0x1, v1  }
0x6a: {  	v42 =	vadd.s32 $0x1, v2;
	v7 =	vld.idx.msk [tilespmem:v1+s2+$0x0], $0xffff  }
0x6b: {  	v43 =	vadd.s32 $0x2, v3;
	v10 =	vld.idx.msk [tilespmem:v2+s2+$0x0], $0xffff  }
0x6c: {  	v44 =	vadd.s32 $0x1, v3;
	v12 =	vld.idx.msk [tilespmem:v39+s2+$0x0], $0xffff  }
0x6d: {  	v45 =	vld.idx.msk [tilespmem:v40+s2+$0x0], $0xffff  }
0x6e: {  	v14 =	vld.idx.msk [tilespmem:v41+s2+$0x0], $0xffff  }
0x6f: {  	v46 =	vld.idx.msk [tilespmem:v42+s2+$0x0], $0xffff  }
0x70: {  	v47 =	vld.idx.msk [tilespmem:v43+s2+$0x0], $0xffff  }
0x71: {  	v48 =	vld.idx.msk [tilespmem:v44+s2+$0x0], $0xffff  }
0x72: {  	v49 =	vld.idx.msk [tilespmem:v3+s2+$0x0], $0xffff;
	_ =	sdelay $0x2  }
0x73: {  	v12 =	vsub.f32 v12, v45;
	v13 =	vsub.f32 v47, v45  }
0x74: {  	v15 =	vsub.f32 v46, v14;
	v14 =	vsub.f32 v48, v14  }
0x75: {  	v10 =	vsub.f32 v10, v7;
	v7 =	vsub.f32 v49, v7  }
0x76: {  	v16 =	vmul.f32 v15, v13;
	v17 =	vmul.f32 v12, v14  }
0x77: {  	v13 =	vmul.f32 v10, v13;
	v12 =	vmul.f32 v12, v7  }
0x78: {  	v10 =	vmul.f32 v10, v14;
	v7 =	vmul.f32 v15, v7;
	v50 =	vsub.f32 v17, v16  }
0x79: {  	v12 =	vsub.f32 v13, v12  }
0x7a: {  	v7 =	vsub.f32 v7, v10;
	[tilespmem:v1+s12+$0x0] =	vst.idx.add.f32.msk $0xffff, v50  }
0x7b: {  	[tilespmem:v41+s12+$0x0] =	vst.idx.add.f32.msk $0xffff, v12  }
0x7c: {  	[tilespmem:v40+s12+$0x0] =	vst.idx.add.f32.msk $0xffff, v7  }
0x7d: {  	[tilespmem:v3+s12+$0x0] =	vst.idx.add.f32.msk $0xffff, v50  }
0x7e: {  	[tilespmem:v44+s12+$0x0] =	vst.idx.add.f32.msk $0xffff, v12  }
0x7f: {  	[tilespmem:v43+s12+$0x0] =	vst.idx.add.f32.msk $0xffff, v7  }
0x80: {  	[tilespmem:v2+s12+$0x0] =	vst.idx.add.f32.msk $0xffff, v50  }
0x81: {  	[tilespmem:v42+s12+$0x0] =	vst.idx.add.f32.msk $0xffff, v12  }
0x82: {  	[tilespmem:v39+s12+$0x0] =	vst.idx.add.f32.msk $0xffff, v7  }
0x83: {  	v1 =	vld [tilespmem:s15+$0xFFFFF9C0]  }
0x84: {  	v2 =	vld [tilespmem:s14+$0x1600];
	_ =	sdelay $0x3  }
0x85: {  	v3 =	vld [tilespmem:s15+$0x0];
	v1 =	vmul.u32 $0x3, v1  }
0x86: {  	v2 =	vmul.u32 $0x3, v2;
	_ =	sdelay $0x1  }
0x87: {  	v51 =	vadd.s32 $0x2, v2  }
0x88: {  	v52 =	vadd.s32 $0x2, v1  }
0x89: {  	v3 =	vmul.u32 $0x3, v3;
	v53 =	vadd.s32 $0x1, v1  }
0x8a: {  	v54 =	vadd.s32 $0x1, v2;
	v7 =	vld.idx.msk [tilespmem:v1+s2+$0x0], $0xffff  }
0x8b: {  	v55 =	vadd.s32 $0x2, v3;
	v56 =	vld.idx.msk [tilespmem:v2+s2+$0x0], $0xffff  }
0x8c: {  	v57 =	vadd.s32 $0x1, v3;
	v12 =	vld.idx.msk [tilespmem:v51+s2+$0x0], $0xffff  }
0x8d: {  	v58 =	vld.idx.msk [tilespmem:v52+s2+$0x0], $0xffff  }
0x8e: {  	v14 =	vld.idx.msk [tilespmem:v53+s2+$0x0], $0xffff  }
0x8f: {  	v59 =	vld.idx.msk [tilespmem:v54+s2+$0x0], $0xffff  }
0x90: {  	v60 =	vld.idx.msk [tilespmem:v55+s2+$0x0], $0xffff  }
0x91: {  	v61 =	vld.idx.msk [tilespmem:v57+s2+$0x0], $0xffff  }
0x92: {  	v62 =	vld.idx.msk [tilespmem:v3+s2+$0x0], $0xffff;
	_ =	sdelay $0x2  }
0x93: {  	v12 =	vsub.f32 v12, v58;
	v13 =	vsub.f32 v60, v58  }
0x94: {  	v15 =	vsub.f32 v59, v14;
	v14 =	vsub.f32 v61, v14  }
0x95: {  	v10 =	vsub.f32 v56, v7;
	v7 =	vsub.f32 v62, v7  }
0x96: {  	v16 =	vmul.f32 v15, v13;
	v17 =	vmul.f32 v12, v14  }
0x97: {  	v13 =	vmul.f32 v10, v13;
	v12 =	vmul.f32 v12, v7  }
0x98: {  	v10 =	vmul.f32 v10, v14;
	v7 =	vmul.f32 v15, v7;
	v63 =	vsub.f32 v17, v16  }
0x99: {  	v12 =	vsub.f32 v13, v12  }
0x9a: {  	v7 =	vsub.f32 v7, v10;
	[tilespmem:v1+s12+$0x0] =	vst.idx.add.f32.msk $0xffff, v63  }
0x9b: {  	[tilespmem:v53+s12+$0x0] =	vst.idx.add.f32.msk $0xffff, v12  }
0x9c: {  	[tilespmem:v52+s12+$0x0] =	vst.idx.add.f32.msk $0xffff, v7  }
0x9d: {  	[tilespmem:v3+s12+$0x0] =	vst.idx.add.f32.msk $0xffff, v63  }
0x9e: {  	[tilespmem:v57+s12+$0x0] =	vst.idx.add.f32.msk $0xffff, v12  }
0x9f: {  	[tilespmem:v55+s12+$0x0] =	vst.idx.add.f32.msk $0xffff, v7  }
0xa0: {  	s13 =	sadd.s32 $0x1, s13;
	[tilespmem:v2+s12+$0x0] =	vst.idx.add.f32.msk $0xffff, v63  }
0xa1: {  	p0 =	sne.s32 s13, s7;
	[tilespmem:v54+s12+$0x0] =	vst.idx.add.f32.msk $0xffff, v12  }
.Ltmp2:
0xa2: {  	[tilespmem:v51+s12+$0x0] =	vst.idx.add.f32.msk $0xffff, v7;
	(pc) =	sbr.rel @p0 .LBB2_1-.Ltmp2, $4  }
0xa3: {  	[hbm4b:s6+s8] =	stream.strided.scatter [tilespmem:s12], [sflag:$0x1], $0x980, s9, s8, $0x38;
	[tilespmem:$0x2600] =	vst v63  }
0xa4: {  	_ =	swait.ge [sflag:s3], $0x980  }
0xa5: {  	[sflag:s3] =	ssyncset.done $0x0  }
0xa6: {  	[sflag:s3] =	ssyncadd.s32 $0xFFFFF680  }
0xa7: {  	_ =	sfence.sel $0x180000  }
0xa8: {  	[bflag:$0x0] =	sbarrier.arrive $0xFFFF  }
0xa9: {  	p0 =	sne.s32 s0, $0x0;
	_ =	strace $0x90000047  }
0xaa: {  	s0 =	sadd.s32 @!p0 $0x100000, s1;
	[bflag:$0x2] =	sbarrier.arrive $0xFFFF  }
0xab: {  	[sflag:s0] =	ssyncadd.tile.s32 @!p0 $0x1;
	_ =	shalt  }
.Lfunc_end2:
_tile_overlayer_lowered:
.L_overlay_start_2:
0xac: {  	(tag) =	ssettag $0x2  }
0xad: {  	s0 =	rddreg [dreg:$0x0];
	s2 =	stileid.u32  }
0xae: {  	s1 =	rddreg [dreg:$0x1];
	p0 =	sne.s32 s2, $0x0  }
0xaf: {  	s3 =	rddreg [dreg:$0x2];
	[bflag:$0x3] =	sbarrier.arrive $0xFFFF;
	s2 =	simm.s32 @!p0 $0x1C01  }
0xb0: {  	[timem:s3], [sflag:s2] =	dma.local @!p0 [hbm:s0], s1  }
0xb1: {  	s0 =	simm.s32 @!p0 $0x1  }
0xb2: {  	_ =	swait.ge @!p0 [sflag:s0], s1  }
0xb3: {  	s1 =	ssub.s32 @!p0 $0x0, s1;
	[sflag:s0] =	ssyncset.done @!p0 $0x0  }
0xb4: {  	[sflag:s0] =	ssyncadd.s32 @!p0 s1  }
0xb5: {  	[bflag:$0x3] =	sbarrier.arrive $0xFFFF  }
0xb6: {  	_ =	shalt  }

</sc_bundles>
